<compile_context>
chip_gen: v7x
topology: tpu7x:2x2x1
jax: 0.10.2.dev20260603
libtpu: 0.0.44.dev20260713+nightly
codegen_flags: <defaults>
</compile_context>

<pallas_src>
import functools

import jax
import jax.numpy as jnp
from jax import lax
from jax.experimental import pallas as pl
from jax.experimental.pallas import tpu as pltpu
from jax.experimental.pallas import tpu_sc as plsc

_N = 4096
_NW = 32
_ROWS_W = _N // _NW
_CR = 2
_NCH = _ROWS_W // _CR
_DEPTH = 4
_L = 16
_GRP = _N // _L


def _vreg_gather(vec, idx):
    return lax.gather(
        vec,
        idx[:, None],
        lax.GatherDimensionNumbers(
            offset_dims=(), collapsed_slice_dims=(0,), start_index_map=(0,)),
        slice_sizes=(1,),
        mode=lax.GatherScatterMode.PROMISE_IN_BOUNDS,
    )


def _sc_body(lut_hbm, np_hbm, mask_hbm, out_hbm, lut_v, np_v, mask_v,
             sin_np, sin_mk, sout):
    wid = lax.axis_index("s") * 2 + lax.axis_index("c")
    row0 = wid * _ROWS_W

    pltpu.sync_copy(lut_hbm, lut_v)
    iv = lax.iota(jnp.int32, _L)
    m = jnp.minimum(iv, 5)
    idx = jnp.where(m == 0, 4, m - 1)
    lut = _vreg_gather(lut_v[...], idx)

    def start_in(c, buf):
        r = row0 + c * _CR
        pltpu.async_copy(np_hbm.at[pl.ds(r, _CR), :], np_v.at[buf],
                         sin_np[buf])
        pltpu.async_copy(mask_hbm.at[pl.ds(r, _CR), :], mask_v.at[buf],
                         sin_mk[buf])

    for buf in range(_DEPTH):
        start_in(buf, buf)

    def chunk_group(cc, lv):
        for buf in range(_DEPTH):
            c = cc * _DEPTH + buf
            r = row0 + c * _CR
            pltpu.make_async_copy(np_hbm.at[pl.ds(r, _CR), :], np_v.at[buf],
                                  sin_np[buf]).wait()
            pltpu.make_async_copy(mask_hbm.at[pl.ds(r, _CR), :],
                                  mask_v.at[buf], sin_mk[buf]).wait()

            @pl.when(c >= _DEPTH)
            def _():
                pr = row0 + (c - _DEPTH) * _CR
                pltpu.make_async_copy(mask_v.at[buf],
                                      out_hbm.at[pl.ds(pr, _CR), :],
                                      sout[buf]).wait()

            for rr in range(_CR):
                @plsc.parallel_loop(0, _GRP, step=1, unroll=8)
                def _step(i):
                    s = pl.ds(i * _L, _L)
                    vals = _vreg_gather(lv, np_v[buf, rr, s])
                    mask_v[buf, rr, s] = vals * mask_v[buf, rr, s]

            @pl.when(c + _DEPTH < _NCH)
            def _():
                start_in(c + _DEPTH, buf)

            pltpu.async_copy(mask_v.at[buf], out_hbm.at[pl.ds(r, _CR), :],
                             sout[buf])
        return lv

    lax.fori_loop(0, _NCH // _DEPTH, chunk_group, lut)

    for buf in range(_DEPTH):
        last = row0 + (_NCH - _DEPTH + buf) * _CR
        pltpu.make_async_copy(mask_v.at[buf],
                              out_hbm.at[pl.ds(last, _CR), :],
                              sout[buf]).wait()


@functools.partial(jax.jit, static_argnames=())
def _spatial_encoding_sc(lut16, node_path, sparse_mask):
    mesh = plsc.VectorSubcoreMesh(core_axis_name="c", subcore_axis_name="s")
    f = pl.kernel(
        _sc_body,
        out_type=jax.ShapeDtypeStruct((_N, _N), jnp.float32),
        mesh=mesh,
        scratch_types=[
            pltpu.VMEM((_L,), jnp.float32),
            pltpu.VMEM((_DEPTH, _CR, _N), jnp.int32),
            pltpu.VMEM((_DEPTH, _CR, _N), jnp.float32),
            [pltpu.SemaphoreType.DMA] * _DEPTH,
            [pltpu.SemaphoreType.DMA] * _DEPTH,
            [pltpu.SemaphoreType.DMA] * _DEPTH,
        ],
        compiler_params=pltpu.CompilerParams(needs_layout_passes=False),
    )
    return f(lut16, node_path, sparse_mask)


def kernel(x, node_path, sparse_mask, b):
    del x
    b16 = jnp.pad(b.astype(jnp.float32), (0, _L - b.shape[0]))
    return _spatial_encoding_sc(b16, node_path, sparse_mask)

# --- scband reference (transcript-rebuilt; emitter-appended) ---
"""Pipeline reference for scband-spatial-encoding-40286793237183 (READ-ONLY COPY).

The authoritative reference and input builder live on the scoring server;
editing this copy changes nothing except your own understanding.
"""

import jax, jax.numpy as jnp
import numpy as np

N = 4096
D = 256
MAX_PD = 5

def setup_inputs(seed: int = 0) -> dict:
    key = jax.random.key(seed)
    k1, k2, k3, k4 = jax.random.split(key, 4)
    x = jax.random.normal(k1, (N, D), dtype=jnp.float32)
    node_path = jax.random.randint(k2, (N, N), 0, MAX_PD + 1, dtype=jnp.int32)
    sparse_mask = jax.random.randint(k3, (N, N), 0, 2, dtype=jnp.int32).astype(jnp.float32)
    # learned parameter b sized per init_kwargs (max_path_distance,)
    b = jax.random.normal(k4, (MAX_PD,), dtype=jnp.float32)
    return {"x": x, "node_path": node_path, "sparse_mask": sparse_mask, "b": b}

def reference(x, node_path, sparse_mask, b):
    # Faithful vectorization of the torch loop:
    # for each nonzero (i,j) of sparse_mask:
    #     spatial[i,j] = b[min(node_path[i,j], max_pd) - 1]
    # then spatial = spatial * sparse_mask
    max_pd = b.shape[0]
    idx = jnp.minimum(node_path, max_pd) - 1
    # torch b[-1] wraps to b[max_pd-1] when node_path == 0; replicate via mod
    idx = jnp.mod(idx, max_pd)
    vals = jnp.take(b, idx, axis=0)
    spatial = jnp.where(sparse_mask != 0, vals, jnp.zeros((), dtype=vals.dtype))
    return spatial * sparse_mask

if __name__ == "__main__":
    import jax
    _d = setup_inputs()
    print(jax.jit(kernel)(*tuple(_d.values())))

</pallas_src>

<mosaic_0001>
#map = affine_map<(d0, d1) -> (0)>
#map1 = affine_map<(d0, d1) -> (0, 0)>
module attributes {stable_mosaic.version = 14 : i64} {
  func.func @_sc_body(%arg0: i32, %arg1: i32, %arg2: memref<16xf32, #tpu.memory_space<hbm>>, %arg3: memref<4096x4096xi32, #tpu.memory_space<hbm>>, %arg4: memref<4096x4096xf32, #tpu.memory_space<hbm>>, %arg5: memref<4096x4096xf32, #tpu.memory_space<hbm>>, %arg6: memref<16xf32, #tpu.memory_space<vmem>>, %arg7: memref<4x2x4096xi32, #tpu.memory_space<vmem>>, %arg8: memref<4x2x4096xf32, #tpu.memory_space<vmem>>, %arg9: memref<!tpu.dma_semaphore, #tpu.memory_space<semaphore_mem>>, %arg10: memref<!tpu.dma_semaphore, #tpu.memory_space<semaphore_mem>>, %arg11: memref<!tpu.dma_semaphore, #tpu.memory_space<semaphore_mem>>, %arg12: memref<!tpu.dma_semaphore, #tpu.memory_space<semaphore_mem>>, %arg13: memref<!tpu.dma_semaphore, #tpu.memory_space<semaphore_mem>>, %arg14: memref<!tpu.dma_semaphore, #tpu.memory_space<semaphore_mem>>, %arg15: memref<!tpu.dma_semaphore, #tpu.memory_space<semaphore_mem>>, %arg16: memref<!tpu.dma_semaphore, #tpu.memory_space<semaphore_mem>>, %arg17: memref<!tpu.dma_semaphore, #tpu.memory_space<semaphore_mem>>, %arg18: memref<!tpu.dma_semaphore, #tpu.memory_space<semaphore_mem>>, %arg19: memref<!tpu.dma_semaphore, #tpu.memory_space<semaphore_mem>>, %arg20: memref<!tpu.dma_semaphore, #tpu.memory_space<semaphore_mem>>) attributes {dimension_semantics = [#tpu.dimension_semantics<core_parallel>, #tpu.dimension_semantics<subcore_parallel>], iteration_bounds = array<i64: 2, 16>, scalar_prefetch = 0 : i64, scratch_operands = 15 : i64, tpu.core_type = #tpu.core_type<sc_vector_subcore>, window_params = [{transform_indices = #map}, {transform_indices = #map1}, {transform_indices = #map1}, {transform_indices = #map1}]} {
    %mul3A = arith.constant 2 : i32
    %mul3A_0 = arith.muli %arg1, %mul3A : i32
    %add3A = arith.addi %mul3A_0, %arg0 : i32
    %mul3A_1 = arith.constant 128 : i32
    %mul3A_2 = arith.muli %add3A, %mul3A_1 : i32
    "tpu.region"() ({
      %run_scoped3A = tpu.sem_alloc : memref<!tpu.dma_semaphore, #tpu.memory_space<semaphore_mem>>
      tpu.enqueue_dma source(%arg2 : memref<16xf32, #tpu.memory_space<hbm>>) target(%arg6 : memref<16xf32, #tpu.memory_space<vmem>>) target_semaphore(%run_scoped3A : memref<!tpu.dma_semaphore, #tpu.memory_space<semaphore_mem>>)
      tpu.wait_dma2 semaphore(%run_scoped3A : memref<!tpu.dma_semaphore, #tpu.memory_space<semaphore_mem>>) src(%arg2 : memref<16xf32, #tpu.memory_space<hbm>>) dst(%arg6 : memref<16xf32, #tpu.memory_space<vmem>>)
      tpu.yield
    }) : () -> ()
    %iota3A = tpu.iota {dimensions = array<i32: 0>} : vector<16xi32>
    %min3A = arith.constant 5 : i32
    %min3A_3 = vector.broadcast %min3A : i32 to vector<16xi32>
    %min3A_4 = arith.minsi %iota3A, %min3A_3 : vector<16xi32>
    %eq3A = arith.constant 0 : i32
    %eq3A_5 = vector.broadcast %eq3A : i32 to vector<16xi32>
    %eq3A_6 = arith.cmpi eq, %min3A_4, %eq3A_5 : vector<16xi32>
    %sub3A = arith.constant 1 : i32
    %sub3A_7 = vector.broadcast %sub3A : i32 to vector<16xi32>
    %sub3A_8 = arith.subi %min3A_4, %sub3A_7 : vector<16xi32>
    %jit3A = arith.constant 4 : i32
    %broadcast_in_dim3A = vector.broadcast %jit3A : i32 to vector<16xi32>
    %select_n3A = arith.select %eq3A_6, %broadcast_in_dim3A, %sub3A_8 : vector<16xi1>, vector<16xi32>
    %get3A = arith.constant 0 : index
    %get3A_9 = tpu.vector_load %arg6[%get3A] {strides = array<i32>} : memref<16xf32, #tpu.memory_space<vmem>>, vector<16xf32>,
    %broadcast_in_dim3A_10 = vector.shape_cast %select_n3A : vector<16xi32> to vector<16x1xi32>
    %gather3A = vector.shape_cast %broadcast_in_dim3A_10 : vector<16x1xi32> to vector<16xi32>
    %gather3A_11 = tpu.dynamic_gather %get3A_9[%gather3A] in [0] : vector<16xf32>, vector<16xi32> -> vector<16xf32>
    %add3A_12 = arith.constant 0 : i32
    %add3A_13 = arith.addi %mul3A_2, %add3A_12 : i32
    %dma_start3A = arith.constant 0 : i32
    %dma_start3A_14 = arith.constant 0 : i32
    %dma_start3A_15 = arith.constant 0 : i32
    %dma_start3A_16 = tpu.memref_slice %arg7[%dma_start3A, %dma_start3A_14, %dma_start3A_15] : memref<4x2x4096xi32, #tpu.memory_space<vmem>> -> memref<1x2x4096xi32, #tpu.memory_space<vmem>>
    %dma_start3A_17 = tpu.memref_squeeze %dma_start3A_16 : memref<1x2x4096xi32, #tpu.memory_space<vmem>> -> memref<2x4096xi32, #tpu.memory_space<vmem>>
    %dma_start3A_18 = arith.constant 0 : i32
    %dma_start3A_19 = tpu.memref_slice %arg3[%add3A_13, %dma_start3A_18] : memref<4096x4096xi32, #tpu.memory_space<hbm>> -> memref<2x4096xi32, #tpu.memory_space<hbm>>
    %dma_start3A_20 = arith.constant 0 : i32
    %dma_start3A_21 = arith.constant 0 : i32
    %dma_start3A_22 = tpu.memref_slice %arg7[%dma_start3A, %dma_start3A_20, %dma_start3A_21] : memref<4x2x4096xi32, #tpu.memory_space<vmem>> -> memref<1x2x4096xi32, #tpu.memory_space<vmem>>
    %dma_start3A_23 = tpu.memref_squeeze %dma_start3A_22 : memref<1x2x4096xi32, #tpu.memory_space<vmem>> -> memref<2x4096xi32, #tpu.memory_space<vmem>>
    %dma_start3A_24 = arith.constant 0 : i32
    %dma_start3A_25 = tpu.memref_slice %arg3[%add3A_13, %dma_start3A_24] : memref<4096x4096xi32, #tpu.memory_space<hbm>> -> memref<2x4096xi32, #tpu.memory_space<hbm>>
    tpu.enqueue_dma source(%dma_start3A_25 : memref<2x4096xi32, #tpu.memory_space<hbm>>) target(%dma_start3A_23 : memref<2x4096xi32, #tpu.memory_space<vmem>>) target_semaphore(%arg9 : memref<!tpu.dma_semaphore, #tpu.memory_space<semaphore_mem>>)
    %dma_start3A_26 = arith.constant 0 : i32
    %dma_start3A_27 = arith.constant 0 : i32
    %dma_start3A_28 = arith.constant 0 : i32
    %dma_start3A_29 = tpu.memref_slice %arg8[%dma_start3A_26, %dma_start3A_27, %dma_start3A_28] : memref<4x2x4096xf32, #tpu.memory_space<vmem>> -> memref<1x2x4096xf32, #tpu.memory_space<vmem>>
    %dma_start3A_30 = tpu.memref_squeeze %dma_start3A_29 : memref<1x2x4096xf32, #tpu.memory_space<vmem>> -> memref<2x4096xf32, #tpu.memory_space<vmem>>
    %dma_start3A_31 = arith.constant 0 : i32
    %dma_start3A_32 = tpu.memref_slice %arg4[%add3A_13, %dma_start3A_31] : memref<4096x4096xf32, #tpu.memory_space<hbm>> -> memref<2x4096xf32, #tpu.memory_space<hbm>>
    %dma_start3A_33 = arith.constant 0 : i32
    %dma_start3A_34 = arith.constant 0 : i32
    %dma_start3A_35 = tpu.memref_slice %arg8[%dma_start3A_26, %dma_start3A_33, %dma_start3A_34] : memref<4x2x4096xf32, #tpu.memory_space<vmem>> -> memref<1x2x4096xf32, #tpu.memory_space<vmem>>
    %dma_start3A_36 = tpu.memref_squeeze %dma_start3A_35 : memref<1x2x4096xf32, #tpu.memory_space<vmem>> -> memref<2x4096xf32, #tpu.memory_space<vmem>>
    %dma_start3A_37 = arith.constant 0 : i32
    %dma_start3A_38 = tpu.memref_slice %arg4[%add3A_13, %dma_start3A_37] : memref<4096x4096xf32, #tpu.memory_space<hbm>> -> memref<2x4096xf32, #tpu.memory_space<hbm>>
    tpu.enqueue_dma source(%dma_start3A_38 : memref<2x4096xf32, #tpu.memory_space<hbm>>) target(%dma_start3A_36 : memref<2x4096xf32, #tpu.memory_space<vmem>>) target_semaphore(%arg13 : memref<!tpu.dma_semaphore, #tpu.memory_space<semaphore_mem>>)
    %add3A_39 = arith.constant 2 : i32
    %add3A_40 = arith.addi %mul3A_2, %add3A_39 : i32
    %dma_start3A_41 = arith.constant 1 : i32
    %dma_start3A_42 = arith.constant 0 : i32
    %dma_start3A_43 = arith.constant 0 : i32
    %dma_start3A_44 = tpu.memref_slice %arg7[%dma_start3A_41, %dma_start3A_42, %dma_start3A_43] : memref<4x2x4096xi32, #tpu.memory_space<vmem>> -> memref<1x2x4096xi32, #tpu.memory_space<vmem>>
    %dma_start3A_45 = tpu.memref_squeeze %dma_start3A_44 : memref<1x2x4096xi32, #tpu.memory_space<vmem>> -> memref<2x4096xi32, #tpu.memory_space<vmem>>
    %dma_start3A_46 = arith.constant 0 : i32
    %dma_start3A_47 = tpu.memref_slice %arg3[%add3A_40, %dma_start3A_46] : memref<4096x4096xi32, #tpu.memory_space<hbm>> -> memref<2x4096xi32, #tpu.memory_space<hbm>>
    %dma_start3A_48 = arith.constant 0 : i32
    %dma_start3A_49 = arith.constant 0 : i32
    %dma_start3A_50 = tpu.memref_slice %arg7[%dma_start3A_41, %dma_start3A_48, %dma_start3A_49] : memref<4x2x4096xi32, #tpu.memory_space<vmem>> -> memref<1x2x4096xi32, #tpu.memory_space<vmem>>
    %dma_start3A_51 = tpu.memref_squeeze %dma_start3A_50 : memref<1x2x4096xi32, #tpu.memory_space<vmem>> -> memref<2x4096xi32, #tpu.memory_space<vmem>>
    %dma_start3A_52 = arith.constant 0 : i32
    %dma_start3A_53 = tpu.memref_slice %arg3[%add3A_40, %dma_start3A_52] : memref<4096x4096xi32, #tpu.memory_space<hbm>> -> memref<2x4096xi32, #tpu.memory_space<hbm>>
    tpu.enqueue_dma source(%dma_start3A_53 : memref<2x4096xi32, #tpu.memory_space<hbm>>) target(%dma_start3A_51 : memref<2x4096xi32, #tpu.memory_space<vmem>>) target_semaphore(%arg10 : memref<!tpu.dma_semaphore, #tpu.memory_space<semaphore_mem>>)
    %dma_start3A_54 = arith.constant 1 : i32
    %dma_start3A_55 = arith.constant 0 : i32
    %dma_start3A_56 = arith.constant 0 : i32
    %dma_start3A_57 = tpu.memref_slice %arg8[%dma_start3A_54, %dma_start3A_55, %dma_start3A_56] : memref<4x2x4096xf32, #tpu.memory_space<vmem>> -> memref<1x2x4096xf32, #tpu.memory_space<vmem>>
    %dma_start3A_58 = tpu.memref_squeeze %dma_start3A_57 : memref<1x2x4096xf32, #tpu.memory_space<vmem>> -> memref<2x4096xf32, #tpu.memory_space<vmem>>
    %dma_start3A_59 = arith.constant 0 : i32
    %dma_start3A_60 = tpu.memref_slice %arg4[%add3A_40, %dma_start3A_59] : memref<4096x4096xf32, #tpu.memory_space<hbm>> -> memref<2x4096xf32, #tpu.memory_space<hbm>>
    %dma_start3A_61 = arith.constant 0 : i32
    %dma_start3A_62 = arith.constant 0 : i32
    %dma_start3A_63 = tpu.memref_slice %arg8[%dma_start3A_54, %dma_start3A_61, %dma_start3A_62] : memref<4x2x4096xf32, #tpu.memory_space<vmem>> -> memref<1x2x4096xf32, #tpu.memory_space<vmem>>
    %dma_start3A_64 = tpu.memref_squeeze %dma_start3A_63 : memref<1x2x4096xf32, #tpu.memory_space<vmem>> -> memref<2x4096xf32, #tpu.memory_space<vmem>>
    %dma_start3A_65 = arith.constant 0 : i32
    %dma_start3A_66 = tpu.memref_slice %arg4[%add3A_40, %dma_start3A_65] : memref<4096x4096xf32, #tpu.memory_space<hbm>> -> memref<2x4096xf32, #tpu.memory_space<hbm>>
    tpu.enqueue_dma source(%dma_start3A_66 : memref<2x4096xf32, #tpu.memory_space<hbm>>) target(%dma_start3A_64 : memref<2x4096xf32, #tpu.memory_space<vmem>>) target_semaphore(%arg14 : memref<!tpu.dma_semaphore, #tpu.memory_space<semaphore_mem>>)
    %add3A_67 = arith.constant 4 : i32
    %add3A_68 = arith.addi %mul3A_2, %add3A_67 : i32
    %dma_start3A_69 = arith.constant 2 : i32
    %dma_start3A_70 = arith.constant 0 : i32
    %dma_start3A_71 = arith.constant 0 : i32
    %dma_start3A_72 = tpu.memref_slice %arg7[%dma_start3A_69, %dma_start3A_70, %dma_start3A_71] : memref<4x2x4096xi32, #tpu.memory_space<vmem>> -> memref<1x2x4096xi32, #tpu.memory_space<vmem>>
    %dma_start3A_73 = tpu.memref_squeeze %dma_start3A_72 : memref<1x2x4096xi32, #tpu.memory_space<vmem>> -> memref<2x4096xi32, #tpu.memory_space<vmem>>
    %dma_start3A_74 = arith.constant 0 : i32
    %dma_start3A_75 = tpu.memref_slice %arg3[%add3A_68, %dma_start3A_74] : memref<4096x4096xi32, #tpu.memory_space<hbm>> -> memref<2x4096xi32, #tpu.memory_space<hbm>>
    %dma_start3A_76 = arith.constant 0 : i32
    %dma_start3A_77 = arith.constant 0 : i32
    %dma_start3A_78 = tpu.memref_slice %arg7[%dma_start3A_69, %dma_start3A_76, %dma_start3A_77] : memref<4x2x4096xi32, #tpu.memory_space<vmem>> -> memref<1x2x4096xi32, #tpu.memory_space<vmem>>
    %dma_start3A_79 = tpu.memref_squeeze %dma_start3A_78 : memref<1x2x4096xi32, #tpu.memory_space<vmem>> -> memref<2x4096xi32, #tpu.memory_space<vmem>>
    %dma_start3A_80 = arith.constant 0 : i32
    %dma_start3A_81 = tpu.memref_slice %arg3[%add3A_68, %dma_start3A_80] : memref<4096x4096xi32, #tpu.memory_space<hbm>> -> memref<2x4096xi32, #tpu.memory_space<hbm>>
    tpu.enqueue_dma source(%dma_start3A_81 : memref<2x4096xi32, #tpu.memory_space<hbm>>) target(%dma_start3A_79 : memref<2x4096xi32, #tpu.memory_space<vmem>>) target_semaphore(%arg11 : memref<!tpu.dma_semaphore, #tpu.memory_space<semaphore_mem>>)
    %dma_start3A_82 = arith.constant 2 : i32
    %dma_start3A_83 = arith.constant 0 : i32
    %dma_start3A_84 = arith.constant 0 : i32
    %dma_start3A_85 = tpu.memref_slice %arg8[%dma_start3A_82, %dma_start3A_83, %dma_start3A_84] : memref<4x2x4096xf32, #tpu.memory_space<vmem>> -> memref<1x2x4096xf32, #tpu.memory_space<vmem>>
    %dma_start3A_86 = tpu.memref_squeeze %dma_start3A_85 : memref<1x2x4096xf32, #tpu.memory_space<vmem>> -> memref<2x4096xf32, #tpu.memory_space<vmem>>
    %dma_start3A_87 = arith.constant 0 : i32
    %dma_start3A_88 = tpu.memref_slice %arg4[%add3A_68, %dma_start3A_87] : memref<4096x4096xf32, #tpu.memory_space<hbm>> -> memref<2x4096xf32, #tpu.memory_space<hbm>>
    %dma_start3A_89 = arith.constant 0 : i32
    %dma_start3A_90 = arith.constant 0 : i32
    %dma_start3A_91 = tpu.memref_slice %arg8[%dma_start3A_82, %dma_start3A_89, %dma_start3A_90] : memref<4x2x4096xf32, #tpu.memory_space<vmem>> -> memref<1x2x4096xf32, #tpu.memory_space<vmem>>
    %dma_start3A_92 = tpu.memref_squeeze %dma_start3A_91 : memref<1x2x4096xf32, #tpu.memory_space<vmem>> -> memref<2x4096xf32, #tpu.memory_space<vmem>>
    %dma_start3A_93 = arith.constant 0 : i32
    %dma_start3A_94 = tpu.memref_slice %arg4[%add3A_68, %dma_start3A_93] : memref<4096x4096xf32, #tpu.memory_space<hbm>> -> memref<2x4096xf32, #tpu.memory_space<hbm>>
    tpu.enqueue_dma source(%dma_start3A_94 : memref<2x4096xf32, #tpu.memory_space<hbm>>) target(%dma_start3A_92 : memref<2x4096xf32, #tpu.memory_space<vmem>>) target_semaphore(%arg15 : memref<!tpu.dma_semaphore, #tpu.memory_space<semaphore_mem>>)
    %add3A_95 = arith.constant 6 : i32
    %add3A_96 = arith.addi %mul3A_2, %add3A_95 : i32
    %dma_start3A_97 = arith.constant 3 : i32
    %dma_start3A_98 = arith.constant 0 : i32
    %dma_start3A_99 = arith.constant 0 : i32
    %dma_start3A_100 = tpu.memref_slice %arg7[%dma_start3A_97, %dma_start3A_98, %dma_start3A_99] : memref<4x2x4096xi32, #tpu.memory_space<vmem>> -> memref<1x2x4096xi32, #tpu.memory_space<vmem>>
    %dma_start3A_101 = tpu.memref_squeeze %dma_start3A_100 : memref<1x2x4096xi32, #tpu.memory_space<vmem>> -> memref<2x4096xi32, #tpu.memory_space<vmem>>
    %dma_start3A_102 = arith.constant 0 : i32
    %dma_start3A_103 = tpu.memref_slice %arg3[%add3A_96, %dma_start3A_102] : memref<4096x4096xi32, #tpu.memory_space<hbm>> -> memref<2x4096xi32, #tpu.memory_space<hbm>>
    %dma_start3A_104 = arith.constant 0 : i32
    %dma_start3A_105 = arith.constant 0 : i32
    %dma_start3A_106 = tpu.memref_slice %arg7[%dma_start3A_97, %dma_start3A_104, %dma_start3A_105] : memref<4x2x4096xi32, #tpu.memory_space<vmem>> -> memref<1x2x4096xi32, #tpu.memory_space<vmem>>
    %dma_start3A_107 = tpu.memref_squeeze %dma_start3A_106 : memref<1x2x4096xi32, #tpu.memory_space<vmem>> -> memref<2x4096xi32, #tpu.memory_space<vmem>>
    %dma_start3A_108 = arith.constant 0 : i32
    %dma_start3A_109 = tpu.memref_slice %arg3[%add3A_96, %dma_start3A_108] : memref<4096x4096xi32, #tpu.memory_space<hbm>> -> memref<2x4096xi32, #tpu.memory_space<hbm>>
    tpu.enqueue_dma source(%dma_start3A_109 : memref<2x4096xi32, #tpu.memory_space<hbm>>) target(%dma_start3A_107 : memref<2x4096xi32, #tpu.memory_space<vmem>>) target_semaphore(%arg12 : memref<!tpu.dma_semaphore, #tpu.memory_space<semaphore_mem>>)
    %dma_start3A_110 = arith.constant 3 : i32
    %dma_start3A_111 = arith.constant 0 : i32
    %dma_start3A_112 = arith.constant 0 : i32
    %dma_start3A_113 = tpu.memref_slice %arg8[%dma_start3A_110, %dma_start3A_111, %dma_start3A_112] : memref<4x2x4096xf32, #tpu.memory_space<vmem>> -> memref<1x2x4096xf32, #tpu.memory_space<vmem>>
    %dma_start3A_114 = tpu.memref_squeeze %dma_start3A_113 : memref<1x2x4096xf32, #tpu.memory_space<vmem>> -> memref<2x4096xf32, #tpu.memory_space<vmem>>
    %dma_start3A_115 = arith.constant 0 : i32
    %dma_start3A_116 = tpu.memref_slice %arg4[%add3A_96, %dma_start3A_115] : memref<4096x4096xf32, #tpu.memory_space<hbm>> -> memref<2x4096xf32, #tpu.memory_space<hbm>>
    %dma_start3A_117 = arith.constant 0 : i32
    %dma_start3A_118 = arith.constant 0 : i32
    %dma_start3A_119 = tpu.memref_slice %arg8[%dma_start3A_110, %dma_start3A_117, %dma_start3A_118] : memref<4x2x4096xf32, #tpu.memory_space<vmem>> -> memref<1x2x4096xf32, #tpu.memory_space<vmem>>
    %dma_start3A_120 = tpu.memref_squeeze %dma_start3A_119 : memref<1x2x4096xf32, #tpu.memory_space<vmem>> -> memref<2x4096xf32, #tpu.memory_space<vmem>>
    %dma_start3A_121 = arith.constant 0 : i32
    %dma_start3A_122 = tpu.memref_slice %arg4[%add3A_96, %dma_start3A_121] : memref<4096x4096xf32, #tpu.memory_space<hbm>> -> memref<2x4096xf32, #tpu.memory_space<hbm>>
    tpu.enqueue_dma source(%dma_start3A_122 : memref<2x4096xf32, #tpu.memory_space<hbm>>) target(%dma_start3A_120 : memref<2x4096xf32, #tpu.memory_space<vmem>>) target_semaphore(%arg16 : memref<!tpu.dma_semaphore, #tpu.memory_space<semaphore_mem>>)
    %scan3A = arith.constant 0 : i32
    %scan3A_123 = arith.constant 16 : i32
    %scan3A_124 = arith.addi %scan3A, %scan3A_123 : i32
    %scan3A_125 = arith.constant 1 : i32
    scf.for %scan3A_186 = %scan3A to %scan3A_124 step %scan3A_125  : i32 {
      %mul3A_187 = arith.constant 4 : i32
      %mul3A_188 = arith.muli %scan3A_186, %mul3A_187 : i32
      %add3A_189 = arith.constant 0 : i32
      %add3A_190 = arith.addi %mul3A_188, %add3A_189 : i32
      %mul3A_191 = arith.constant 2 : i32
      %mul3A_192 = arith.muli %add3A_190, %mul3A_191 : i32
      %add3A_193 = arith.addi %mul3A_2, %mul3A_192 : i32
      %dma_wait3A_194 = arith.constant 0 : i32
      %dma_wait3A_195 = arith.constant 0 : i32
      %dma_wait3A_196 = arith.constant 0 : i32
      %dma_wait3A_197 = tpu.memref_slice %arg7[%dma_wait3A_194, %dma_wait3A_195, %dma_wait3A_196] : memref<4x2x4096xi32, #tpu.memory_space<vmem>> -> memref<1x2x4096xi32, #tpu.memory_space<vmem>>
      %dma_wait3A_198 = tpu.memref_squeeze %dma_wait3A_197 : memref<1x2x4096xi32, #tpu.memory_space<vmem>> -> memref<2x4096xi32, #tpu.memory_space<vmem>>
      %dma_wait3A_199 = arith.constant 0 : i32
      %dma_wait3A_200 = tpu.memref_slice %arg3[%add3A_193, %dma_wait3A_199] : memref<4096x4096xi32, #tpu.memory_space<hbm>> -> memref<2x4096xi32, #tpu.memory_space<hbm>>
      %dma_wait3A_201 = arith.constant 0 : i32
      %dma_wait3A_202 = arith.constant 0 : i32
      %dma_wait3A_203 = tpu.memref_slice %arg7[%dma_wait3A_194, %dma_wait3A_201, %dma_wait3A_202] : memref<4x2x4096xi32, #tpu.memory_space<vmem>> -> memref<1x2x4096xi32, #tpu.memory_space<vmem>>
      %dma_wait3A_204 = tpu.memref_squeeze %dma_wait3A_203 : memref<1x2x4096xi32, #tpu.memory_space<vmem>> -> memref<2x4096xi32, #tpu.memory_space<vmem>>
      %dma_wait3A_205 = arith.constant 0 : i32
      %dma_wait3A_206 = tpu.memref_slice %arg3[%add3A_193, %dma_wait3A_205] : memref<4096x4096xi32, #tpu.memory_space<hbm>> -> memref<2x4096xi32, #tpu.memory_space<hbm>>
      tpu.wait_dma2 semaphore(%arg9 : memref<!tpu.dma_semaphore, #tpu.memory_space<semaphore_mem>>) src(%dma_wait3A_206 : memref<2x4096xi32, #tpu.memory_space<hbm>>) dst(%dma_wait3A_204 : memref<2x4096xi32, #tpu.memory_space<vmem>>)
      %dma_wait3A_207 = arith.constant 0 : i32
      %dma_wait3A_208 = arith.constant 0 : i32
      %dma_wait3A_209 = arith.constant 0 : i32
      %dma_wait3A_210 = tpu.memref_slice %arg8[%dma_wait3A_207, %dma_wait3A_208, %dma_wait3A_209] : memref<4x2x4096xf32, #tpu.memory_space<vmem>> -> memref<1x2x4096xf32, #tpu.memory_space<vmem>>
      %dma_wait3A_211 = tpu.memref_squeeze %dma_wait3A_210 : memref<1x2x4096xf32, #tpu.memory_space<vmem>> -> memref<2x4096xf32, #tpu.memory_space<vmem>>
      %dma_wait3A_212 = arith.constant 0 : i32
      %dma_wait3A_213 = tpu.memref_slice %arg4[%add3A_193, %dma_wait3A_212] : memref<4096x4096xf32, #tpu.memory_space<hbm>> -> memref<2x4096xf32, #tpu.memory_space<hbm>>
      %dma_wait3A_214 = arith.constant 0 : i32
      %dma_wait3A_215 = arith.constant 0 : i32
      %dma_wait3A_216 = tpu.memref_slice %arg8[%dma_wait3A_207, %dma_wait3A_214, %dma_wait3A_215] : memref<4x2x4096xf32, #tpu.memory_space<vmem>> -> memref<1x2x4096xf32, #tpu.memory_space<vmem>>
      %dma_wait3A_217 = tpu.memref_squeeze %dma_wait3A_216 : memref<1x2x4096xf32, #tpu.memory_space<vmem>> -> memref<2x4096xf32, #tpu.memory_space<vmem>>
      %dma_wait3A_218 = arith.constant 0 : i32
      %dma_wait3A_219 = tpu.memref_slice %arg4[%add3A_193, %dma_wait3A_218] : memref<4096x4096xf32, #tpu.memory_space<hbm>> -> memref<2x4096xf32, #tpu.memory_space<hbm>>
      tpu.wait_dma2 semaphore(%arg13 : memref<!tpu.dma_semaphore, #tpu.memory_space<semaphore_mem>>) src(%dma_wait3A_219 : memref<2x4096xf32, #tpu.memory_space<hbm>>) dst(%dma_wait3A_217 : memref<2x4096xf32, #tpu.memory_space<vmem>>)
      %ge3A = arith.constant 4 : i32
      %ge3A_220 = arith.cmpi sge, %add3A_190, %ge3A : i32
      %convert_element_type3A = arith.extui %ge3A_220 : i1 to i32
      %cond3A = arith.constant 0 : i32
      %cond3A_221 = arith.cmpi ne, %convert_element_type3A, %cond3A : i32
      scf.if %cond3A_221 {
        %sub3A_438 = arith.constant 4 : i32
        %sub3A_439 = arith.subi %add3A_190, %sub3A_438 : i32
        %mul3A_440 = arith.constant 2 : i32
        %mul3A_441 = arith.muli %sub3A_439, %mul3A_440 : i32
        %add3A_442 = arith.addi %mul3A_2, %mul3A_441 : i32
        %dma_wait3A_443 = arith.constant 0 : i32
        %dma_wait3A_444 = arith.constant 0 : i32
        %dma_wait3A_445 = arith.constant 0 : i32
        %dma_wait3A_446 = tpu.memref_slice %arg8[%dma_wait3A_443, %dma_wait3A_444, %dma_wait3A_445] : memref<4x2x4096xf32, #tpu.memory_space<vmem>> -> memref<1x2x4096xf32, #tpu.memory_space<vmem>>
        %dma_wait3A_447 = tpu.memref_squeeze %dma_wait3A_446 : memref<1x2x4096xf32, #tpu.memory_space<vmem>> -> memref<2x4096xf32, #tpu.memory_space<vmem>>
        %dma_wait3A_448 = arith.constant 0 : i32
        %dma_wait3A_449 = tpu.memref_slice %arg5[%add3A_442, %dma_wait3A_448] : memref<4096x4096xf32, #tpu.memory_space<hbm>> -> memref<2x4096xf32, #tpu.memory_space<hbm>>
        %dma_wait3A_450 = arith.constant 0 : i32
        %dma_wait3A_451 = tpu.memref_slice %arg5[%add3A_442, %dma_wait3A_450] : memref<4096x4096xf32, #tpu.memory_space<hbm>> -> memref<2x4096xf32, #tpu.memory_space<hbm>>
        %dma_wait3A_452 = arith.constant 0 : i32
        %dma_wait3A_453 = arith.constant 0 : i32
        %dma_wait3A_454 = tpu.memref_slice %arg8[%dma_wait3A_443, %dma_wait3A_452, %dma_wait3A_453] : memref<4x2x4096xf32, #tpu.memory_space<vmem>> -> memref<1x2x4096xf32, #tpu.memory_space<vmem>>
        %dma_wait3A_455 = tpu.memref_squeeze %dma_wait3A_454 : memref<1x2x4096xf32, #tpu.memory_space<vmem>> -> memref<2x4096xf32, #tpu.memory_space<vmem>>
        tpu.wait_dma2 semaphore(%arg17 : memref<!tpu.dma_semaphore, #tpu.memory_space<semaphore_mem>>) src(%dma_wait3A_455 : memref<2x4096xf32, #tpu.memory_space<vmem>>) dst(%dma_wait3A_451 : memref<2x4096xf32, #tpu.memory_space<hbm>>)
      } else {
      }
      %parallel_loop3A = arith.constant 0 : i32
      %parallel_loop3A_222 = arith.constant 256 : i32
      %parallel_loop3A_223 = arith.constant 1 : i32
      scf.for %parallel_loop3A_438 = %parallel_loop3A to %parallel_loop3A_222 step %parallel_loop3A_223  : i32 {
        %parallel_loop3A_439 = arith.constant 16 : i32
        %parallel_loop3A_440 = arith.muli %parallel_loop3A_438, %parallel_loop3A_439 : i32
        %parallel_loop3A_441 = arith.constant 0 : i32
        %parallel_loop3A_442 = arith.constant 0 : i32
        %parallel_loop3A_443 = arith.index_cast %parallel_loop3A_441 : i32 to index
        %parallel_loop3A_444 = arith.index_cast %parallel_loop3A_442 : i32 to index
        %parallel_loop3A_445 = arith.index_cast %parallel_loop3A_440 : i32 to index
        %parallel_loop3A_446 = tpu.vector_load %arg7[%parallel_loop3A_443, %parallel_loop3A_444, %parallel_loop3A_445] {strides = array<i32>} : memref<4x2x4096xi32, #tpu.memory_space<vmem>>, vector<16xi32>,
        %parallel_loop3A_447 = vector.shape_cast %parallel_loop3A_446 : vector<16xi32> to vector<16x1xi32>
        %parallel_loop3A_448 = vector.shape_cast %parallel_loop3A_447 : vector<16x1xi32> to vector<16xi32>
        %parallel_loop3A_449 = tpu.dynamic_gather %gather3A_11[%parallel_loop3A_448] in [0] : vector<16xf32>, vector<16xi32> -> vector<16xf32>
        %parallel_loop3A_450 = arith.constant 0 : i32
        %parallel_loop3A_451 = arith.constant 0 : i32
        %parallel_loop3A_452 = arith.index_cast %parallel_loop3A_450 : i32 to index
        %parallel_loop3A_453 = arith.index_cast %parallel_loop3A_451 : i32 to index
        %parallel_loop3A_454 = arith.index_cast %parallel_loop3A_440 : i32 to index
        %parallel_loop3A_455 = tpu.vector_load %arg8[%parallel_loop3A_452, %parallel_loop3A_453, %parallel_loop3A_454] {strides = array<i32>} : memref<4x2x4096xf32, #tpu.memory_space<vmem>>, vector<16xf32>,
        %parallel_loop3A_456 = arith.mulf %parallel_loop3A_449, %parallel_loop3A_455 : vector<16xf32>
        %parallel_loop3A_457 = arith.constant 0 : i32
        %parallel_loop3A_458 = arith.constant 0 : i32
        %parallel_loop3A_459 = arith.index_cast %parallel_loop3A_457 : i32 to index
        %parallel_loop3A_460 = arith.index_cast %parallel_loop3A_458 : i32 to index
        %parallel_loop3A_461 = arith.index_cast %parallel_loop3A_440 : i32 to index
        %parallel_loop3A_462 = tpu.vector_load %arg8[%parallel_loop3A_459, %parallel_loop3A_460, %parallel_loop3A_461] {strides = array<i32>} : memref<4x2x4096xf32, #tpu.memory_space<vmem>>, vector<16xf32>,
        tpu.vector_store %arg8[%parallel_loop3A_459, %parallel_loop3A_460, %parallel_loop3A_461], %parallel_loop3A_456 {strides = array<i32>} : memref<4x2x4096xf32, #tpu.memory_space<vmem>>, vector<16xf32>,
      } {sc.loop_unroll_factor = 8 : i64, sc.parallel_access}
      %parallel_loop3A_224 = arith.constant 0 : i32
      %parallel_loop3A_225 = arith.constant 256 : i32
      %parallel_loop3A_226 = arith.constant 1 : i32
      scf.for %parallel_loop3A_438 = %parallel_loop3A_224 to %parallel_loop3A_225 step %parallel_loop3A_226  : i32 {
        %parallel_loop3A_439 = arith.constant 16 : i32
        %parallel_loop3A_440 = arith.muli %parallel_loop3A_438, %parallel_loop3A_439 : i32
        %parallel_loop3A_441 = arith.constant 0 : i32
        %parallel_loop3A_442 = arith.constant 1 : i32
        %parallel_loop3A_443 = arith.index_cast %parallel_loop3A_441 : i32 to index
        %parallel_loop3A_444 = arith.index_cast %parallel_loop3A_442 : i32 to index
        %parallel_loop3A_445 = arith.index_cast %parallel_loop3A_440 : i32 to index
        %parallel_loop3A_446 = tpu.vector_load %arg7[%parallel_loop3A_443, %parallel_loop3A_444, %parallel_loop3A_445] {strides = array<i32>} : memref<4x2x4096xi32, #tpu.memory_space<vmem>>, vector<16xi32>,
        %parallel_loop3A_447 = vector.shape_cast %parallel_loop3A_446 : vector<16xi32> to vector<16x1xi32>
        %parallel_loop3A_448 = vector.shape_cast %parallel_loop3A_447 : vector<16x1xi32> to vector<16xi32>
        %parallel_loop3A_449 = tpu.dynamic_gather %gather3A_11[%parallel_loop3A_448] in [0] : vector<16xf32>, vector<16xi32> -> vector<16xf32>
        %parallel_loop3A_450 = arith.constant 0 : i32
        %parallel_loop3A_451 = arith.constant 1 : i32
        %parallel_loop3A_452 = arith.index_cast %parallel_loop3A_450 : i32 to index
        %parallel_loop3A_453 = arith.index_cast %parallel_loop3A_451 : i32 to index
        %parallel_loop3A_454 = arith.index_cast %parallel_loop3A_440 : i32 to index
        %parallel_loop3A_455 = tpu.vector_load %arg8[%parallel_loop3A_452, %parallel_loop3A_453, %parallel_loop3A_454] {strides = array<i32>} : memref<4x2x4096xf32, #tpu.memory_space<vmem>>, vector<16xf32>,
        %parallel_loop3A_456 = arith.mulf %parallel_loop3A_449, %parallel_loop3A_455 : vector<16xf32>
        %parallel_loop3A_457 = arith.constant 0 : i32
        %parallel_loop3A_458 = arith.constant 1 : i32
        %parallel_loop3A_459 = arith.index_cast %parallel_loop3A_457 : i32 to index
        %parallel_loop3A_460 = arith.index_cast %parallel_loop3A_458 : i32 to index
        %parallel_loop3A_461 = arith.index_cast %parallel_loop3A_440 : i32 to index
        %parallel_loop3A_462 = tpu.vector_load %arg8[%parallel_loop3A_459, %parallel_loop3A_460, %parallel_loop3A_461] {strides = array<i32>} : memref<4x2x4096xf32, #tpu.memory_space<vmem>>, vector<16xf32>,
        tpu.vector_store %arg8[%parallel_loop3A_459, %parallel_loop3A_460, %parallel_loop3A_461], %parallel_loop3A_456 {strides = array<i32>} : memref<4x2x4096xf32, #tpu.memory_space<vmem>>, vector<16xf32>,
      } {sc.loop_unroll_factor = 8 : i64, sc.parallel_access}
      %add3A_227 = arith.constant 4 : i32
      %add3A_228 = arith.addi %add3A_190, %add3A_227 : i32
      %lt3A = arith.constant 64 : i32
      %lt3A_229 = arith.cmpi slt, %add3A_228, %lt3A : i32
      %convert_element_type3A_230 = arith.extui %lt3A_229 : i1 to i32
      %cond3A_231 = arith.constant 0 : i32
      %cond3A_232 = arith.cmpi ne, %convert_element_type3A_230, %cond3A_231 : i32
      scf.if %cond3A_232 {
        %add3A_438 = arith.constant 4 : i32
        %add3A_439 = arith.addi %add3A_190, %add3A_438 : i32
        %mul3A_440 = arith.constant 2 : i32
        %mul3A_441 = arith.muli %add3A_439, %mul3A_440 : i32
        %add3A_442 = arith.addi %mul3A_2, %mul3A_441 : i32
        %dma_start3A_443 = arith.constant 0 : i32
        %dma_start3A_444 = arith.constant 0 : i32
        %dma_start3A_445 = arith.constant 0 : i32
        %dma_start3A_446 = tpu.memref_slice %arg7[%dma_start3A_443, %dma_start3A_444, %dma_start3A_445] : memref<4x2x4096xi32, #tpu.memory_space<vmem>> -> memref<1x2x4096xi32, #tpu.memory_space<vmem>>
        %dma_start3A_447 = tpu.memref_squeeze %dma_start3A_446 : memref<1x2x4096xi32, #tpu.memory_space<vmem>> -> memref<2x4096xi32, #tpu.memory_space<vmem>>
        %dma_start3A_448 = arith.constant 0 : i32
        %dma_start3A_449 = tpu.memref_slice %arg3[%add3A_442, %dma_start3A_448] : memref<4096x4096xi32, #tpu.memory_space<hbm>> -> memref<2x4096xi32, #tpu.memory_space<hbm>>
        %dma_start3A_450 = arith.constant 0 : i32
        %dma_start3A_451 = arith.constant 0 : i32
        %dma_start3A_452 = tpu.memref_slice %arg7[%dma_start3A_443, %dma_start3A_450, %dma_start3A_451] : memref<4x2x4096xi32, #tpu.memory_space<vmem>> -> memref<1x2x4096xi32, #tpu.memory_space<vmem>>
        %dma_start3A_453 = tpu.memref_squeeze %dma_start3A_452 : memref<1x2x4096xi32, #tpu.memory_space<vmem>> -> memref<2x4096xi32, #tpu.memory_space<vmem>>
        %dma_start3A_454 = arith.constant 0 : i32
        %dma_start3A_455 = tpu.memref_slice %arg3[%add3A_442, %dma_start3A_454] : memref<4096x4096xi32, #tpu.memory_space<hbm>> -> memref<2x4096xi32, #tpu.memory_space<hbm>>
        tpu.enqueue_dma source(%dma_start3A_455 : memref<2x4096xi32, #tpu.memory_space<hbm>>) target(%dma_start3A_453 : memref<2x4096xi32, #tpu.memory_space<vmem>>) target_semaphore(%arg9 : memref<!tpu.dma_semaphore, #tpu.memory_space<semaphore_mem>>)
        %dma_start3A_456 = arith.constant 0 : i32
        %dma_start3A_457 = arith.constant 0 : i32
        %dma_start3A_458 = arith.constant 0 : i32
        %dma_start3A_459 = tpu.memref_slice %arg8[%dma_start3A_456, %dma_start3A_457, %dma_start3A_458] : memref<4x2x4096xf32, #tpu.memory_space<vmem>> -> memref<1x2x4096xf32, #tpu.memory_space<vmem>>
        %dma_start3A_460 = tpu.memref_squeeze %dma_start3A_459 : memref<1x2x4096xf32, #tpu.memory_space<vmem>> -> memref<2x4096xf32, #tpu.memory_space<vmem>>
        %dma_start3A_461 = arith.constant 0 : i32
        %dma_start3A_462 = tpu.memref_slice %arg4[%add3A_442, %dma_start3A_461] : memref<4096x4096xf32, #tpu.memory_space<hbm>> -> memref<2x4096xf32, #tpu.memory_space<hbm>>
        %dma_start3A_463 = arith.constant 0 : i32
        %dma_start3A_464 = arith.constant 0 : i32
        %dma_start3A_465 = tpu.memref_slice %arg8[%dma_start3A_456, %dma_start3A_463, %dma_start3A_464] : memref<4x2x4096xf32, #tpu.memory_space<vmem>> -> memref<1x2x4096xf32, #tpu.memory_space<vmem>>
        %dma_start3A_466 = tpu.memref_squeeze %dma_start3A_465 : memref<1x2x4096xf32, #tpu.memory_space<vmem>> -> memref<2x4096xf32, #tpu.memory_space<vmem>>
        %dma_start3A_467 = arith.constant 0 : i32
        %dma_start3A_468 = tpu.memref_slice %arg4[%add3A_442, %dma_start3A_467] : memref<4096x4096xf32, #tpu.memory_space<hbm>> -> memref<2x4096xf32, #tpu.memory_space<hbm>>
        tpu.enqueue_dma source(%dma_start3A_468 : memref<2x4096xf32, #tpu.memory_space<hbm>>) target(%dma_start3A_466 : memref<2x4096xf32, #tpu.memory_space<vmem>>) target_semaphore(%arg13 : memref<!tpu.dma_semaphore, #tpu.memory_space<semaphore_mem>>)
      } else {
      }
      %dma_start3A_233 = arith.constant 0 : i32
      %dma_start3A_234 = arith.constant 0 : i32
      %dma_start3A_235 = arith.constant 0 : i32
      %dma_start3A_236 = tpu.memref_slice %arg8[%dma_start3A_233, %dma_start3A_234, %dma_start3A_235] : memref<4x2x4096xf32, #tpu.memory_space<vmem>> -> memref<1x2x4096xf32, #tpu.memory_space<vmem>>
      %dma_start3A_237 = tpu.memref_squeeze %dma_start3A_236 : memref<1x2x4096xf32, #tpu.memory_space<vmem>> -> memref<2x4096xf32, #tpu.memory_space<vmem>>
      %dma_start3A_238 = arith.constant 0 : i32
      %dma_start3A_239 = tpu.memref_slice %arg5[%add3A_193, %dma_start3A_238] : memref<4096x4096xf32, #tpu.memory_space<hbm>> -> memref<2x4096xf32, #tpu.memory_space<hbm>>
      %dma_start3A_240 = arith.constant 0 : i32
      %dma_start3A_241 = tpu.memref_slice %arg5[%add3A_193, %dma_start3A_240] : memref<4096x4096xf32, #tpu.memory_space<hbm>> -> memref<2x4096xf32, #tpu.memory_space<hbm>>
      %dma_start3A_242 = arith.constant 0 : i32
      %dma_start3A_243 = arith.constant 0 : i32
      %dma_start3A_244 = tpu.memref_slice %arg8[%dma_start3A_233, %dma_start3A_242, %dma_start3A_243] : memref<4x2x4096xf32, #tpu.memory_space<vmem>> -> memref<1x2x4096xf32, #tpu.memory_space<vmem>>
      %dma_start3A_245 = tpu.memref_squeeze %dma_start3A_244 : memref<1x2x4096xf32, #tpu.memory_space<vmem>> -> memref<2x4096xf32, #tpu.memory_space<vmem>>
      tpu.enqueue_dma source(%dma_start3A_245 : memref<2x4096xf32, #tpu.memory_space<vmem>>) target(%dma_start3A_241 : memref<2x4096xf32, #tpu.memory_space<hbm>>) target_semaphore(%arg17 : memref<!tpu.dma_semaphore, #tpu.memory_space<semaphore_mem>>)
      %mul3A_246 = arith.constant 4 : i32
      %mul3A_247 = arith.muli %scan3A_186, %mul3A_246 : i32
      %add3A_248 = arith.constant 1 : i32
      %add3A_249 = arith.addi %mul3A_247, %add3A_248 : i32
      %mul3A_250 = arith.constant 2 : i32
      %mul3A_251 = arith.muli %add3A_249, %mul3A_250 : i32
      %add3A_252 = arith.addi %mul3A_2, %mul3A_251 : i32
      %dma_wait3A_253 = arith.constant 1 : i32
      %dma_wait3A_254 = arith.constant 0 : i32
      %dma_wait3A_255 = arith.constant 0 : i32
      %dma_wait3A_256 = tpu.memref_slice %arg7[%dma_wait3A_253, %dma_wait3A_254, %dma_wait3A_255] : memref<4x2x4096xi32, #tpu.memory_space<vmem>> -> memref<1x2x4096xi32, #tpu.memory_space<vmem>>
      %dma_wait3A_257 = tpu.memref_squeeze %dma_wait3A_256 : memref<1x2x4096xi32, #tpu.memory_space<vmem>> -> memref<2x4096xi32, #tpu.memory_space<vmem>>
      %dma_wait3A_258 = arith.constant 0 : i32
      %dma_wait3A_259 = tpu.memref_slice %arg3[%add3A_252, %dma_wait3A_258] : memref<4096x4096xi32, #tpu.memory_space<hbm>> -> memref<2x4096xi32, #tpu.memory_space<hbm>>
      %dma_wait3A_260 = arith.constant 0 : i32
      %dma_wait3A_261 = arith.constant 0 : i32
      %dma_wait3A_262 = tpu.memref_slice %arg7[%dma_wait3A_253, %dma_wait3A_260, %dma_wait3A_261] : memref<4x2x4096xi32, #tpu.memory_space<vmem>> -> memref<1x2x4096xi32, #tpu.memory_space<vmem>>
      %dma_wait3A_263 = tpu.memref_squeeze %dma_wait3A_262 : memref<1x2x4096xi32, #tpu.memory_space<vmem>> -> memref<2x4096xi32, #tpu.memory_space<vmem>>
      %dma_wait3A_264 = arith.constant 0 : i32
      %dma_wait3A_265 = tpu.memref_slice %arg3[%add3A_252, %dma_wait3A_264] : memref<4096x4096xi32, #tpu.memory_space<hbm>> -> memref<2x4096xi32, #tpu.memory_space<hbm>>
      tpu.wait_dma2 semaphore(%arg10 : memref<!tpu.dma_semaphore, #tpu.memory_space<semaphore_mem>>) src(%dma_wait3A_265 : memref<2x4096xi32, #tpu.memory_space<hbm>>) dst(%dma_wait3A_263 : memref<2x4096xi32, #tpu.memory_space<vmem>>)
      %dma_wait3A_266 = arith.constant 1 : i32
      %dma_wait3A_267 = arith.constant 0 : i32
      %dma_wait3A_268 = arith.constant 0 : i32
      %dma_wait3A_269 = tpu.memref_slice %arg8[%dma_wait3A_266, %dma_wait3A_267, %dma_wait3A_268] : memref<4x2x4096xf32, #tpu.memory_space<vmem>> -> memref<1x2x4096xf32, #tpu.memory_space<vmem>>
      %dma_wait3A_270 = tpu.memref_squeeze %dma_wait3A_269 : memref<1x2x4096xf32, #tpu.memory_space<vmem>> -> memref<2x4096xf32, #tpu.memory_space<vmem>>
      %dma_wait3A_271 = arith.constant 0 : i32
      %dma_wait3A_272 = tpu.memref_slice %arg4[%add3A_252, %dma_wait3A_271] : memref<4096x4096xf32, #tpu.memory_space<hbm>> -> memref<2x4096xf32, #tpu.memory_space<hbm>>
      %dma_wait3A_273 = arith.constant 0 : i32
      %dma_wait3A_274 = arith.constant 0 : i32
      %dma_wait3A_275 = tpu.memref_slice %arg8[%dma_wait3A_266, %dma_wait3A_273, %dma_wait3A_274] : memref<4x2x4096xf32, #tpu.memory_space<vmem>> -> memref<1x2x4096xf32, #tpu.memory_space<vmem>>
      %dma_wait3A_276 = tpu.memref_squeeze %dma_wait3A_275 : memref<1x2x4096xf32, #tpu.memory_space<vmem>> -> memref<2x4096xf32, #tpu.memory_space<vmem>>
      %dma_wait3A_277 = arith.constant 0 : i32
      %dma_wait3A_278 = tpu.memref_slice %arg4[%add3A_252, %dma_wait3A_277] : memref<4096x4096xf32, #tpu.memory_space<hbm>> -> memref<2x4096xf32, #tpu.memory_space<hbm>>
      tpu.wait_dma2 semaphore(%arg14 : memref<!tpu.dma_semaphore, #tpu.memory_space<semaphore_mem>>) src(%dma_wait3A_278 : memref<2x4096xf32, #tpu.memory_space<hbm>>) dst(%dma_wait3A_276 : memref<2x4096xf32, #tpu.memory_space<vmem>>)
      %ge3A_279 = arith.constant 4 : i32
      %ge3A_280 = arith.cmpi sge, %add3A_249, %ge3A_279 : i32
      %convert_element_type3A_281 = arith.extui %ge3A_280 : i1 to i32
      %cond3A_282 = arith.constant 0 : i32
      %cond3A_283 = arith.cmpi ne, %convert_element_type3A_281, %cond3A_282 : i32
      scf.if %cond3A_283 {
        %sub3A_438 = arith.constant 4 : i32
        %sub3A_439 = arith.subi %add3A_249, %sub3A_438 : i32
        %mul3A_440 = arith.constant 2 : i32
        %mul3A_441 = arith.muli %sub3A_439, %mul3A_440 : i32
        %add3A_442 = arith.addi %mul3A_2, %mul3A_441 : i32
        %dma_wait3A_443 = arith.constant 1 : i32
        %dma_wait3A_444 = arith.constant 0 : i32
        %dma_wait3A_445 = arith.constant 0 : i32
        %dma_wait3A_446 = tpu.memref_slice %arg8[%dma_wait3A_443, %dma_wait3A_444, %dma_wait3A_445] : memref<4x2x4096xf32, #tpu.memory_space<vmem>> -> memref<1x2x4096xf32, #tpu.memory_space<vmem>>
        %dma_wait3A_447 = tpu.memref_squeeze %dma_wait3A_446 : memref<1x2x4096xf32, #tpu.memory_space<vmem>> -> memref<2x4096xf32, #tpu.memory_space<vmem>>
        %dma_wait3A_448 = arith.constant 0 : i32
        %dma_wait3A_449 = tpu.memref_slice %arg5[%add3A_442, %dma_wait3A_448] : memref<4096x4096xf32, #tpu.memory_space<hbm>> -> memref<2x4096xf32, #tpu.memory_space<hbm>>
        %dma_wait3A_450 = arith.constant 0 : i32
        %dma_wait3A_451 = tpu.memref_slice %arg5[%add3A_442, %dma_wait3A_450] : memref<4096x4096xf32, #tpu.memory_space<hbm>> -> memref<2x4096xf32, #tpu.memory_space<hbm>>
        %dma_wait3A_452 = arith.constant 0 : i32
        %dma_wait3A_453 = arith.constant 0 : i32
        %dma_wait3A_454 = tpu.memref_slice %arg8[%dma_wait3A_443, %dma_wait3A_452, %dma_wait3A_453] : memref<4x2x4096xf32, #tpu.memory_space<vmem>> -> memref<1x2x4096xf32, #tpu.memory_space<vmem>>
        %dma_wait3A_455 = tpu.memref_squeeze %dma_wait3A_454 : memref<1x2x4096xf32, #tpu.memory_space<vmem>> -> memref<2x4096xf32, #tpu.memory_space<vmem>>
        tpu.wait_dma2 semaphore(%arg18 : memref<!tpu.dma_semaphore, #tpu.memory_space<semaphore_mem>>) src(%dma_wait3A_455 : memref<2x4096xf32, #tpu.memory_space<vmem>>) dst(%dma_wait3A_451 : memref<2x4096xf32, #tpu.memory_space<hbm>>)
      } else {
      }
      %parallel_loop3A_284 = arith.constant 0 : i32
      %parallel_loop3A_285 = arith.constant 256 : i32
      %parallel_loop3A_286 = arith.constant 1 : i32
      scf.for %parallel_loop3A_438 = %parallel_loop3A_284 to %parallel_loop3A_285 step %parallel_loop3A_286  : i32 {
        %parallel_loop3A_439 = arith.constant 16 : i32
        %parallel_loop3A_440 = arith.muli %parallel_loop3A_438, %parallel_loop3A_439 : i32
        %parallel_loop3A_441 = arith.constant 1 : i32
        %parallel_loop3A_442 = arith.constant 0 : i32
        %parallel_loop3A_443 = arith.index_cast %parallel_loop3A_441 : i32 to index
        %parallel_loop3A_444 = arith.index_cast %parallel_loop3A_442 : i32 to index
        %parallel_loop3A_445 = arith.index_cast %parallel_loop3A_440 : i32 to index
        %parallel_loop3A_446 = tpu.vector_load %arg7[%parallel_loop3A_443, %parallel_loop3A_444, %parallel_loop3A_445] {strides = array<i32>} : memref<4x2x4096xi32, #tpu.memory_space<vmem>>, vector<16xi32>,
        %parallel_loop3A_447 = vector.shape_cast %parallel_loop3A_446 : vector<16xi32> to vector<16x1xi32>
        %parallel_loop3A_448 = vector.shape_cast %parallel_loop3A_447 : vector<16x1xi32> to vector<16xi32>
        %parallel_loop3A_449 = tpu.dynamic_gather %gather3A_11[%parallel_loop3A_448] in [0] : vector<16xf32>, vector<16xi32> -> vector<16xf32>
        %parallel_loop3A_450 = arith.constant 1 : i32
        %parallel_loop3A_451 = arith.constant 0 : i32
        %parallel_loop3A_452 = arith.index_cast %parallel_loop3A_450 : i32 to index
        %parallel_loop3A_453 = arith.index_cast %parallel_loop3A_451 : i32 to index
        %parallel_loop3A_454 = arith.index_cast %parallel_loop3A_440 : i32 to index
        %parallel_loop3A_455 = tpu.vector_load %arg8[%parallel_loop3A_452, %parallel_loop3A_453, %parallel_loop3A_454] {strides = array<i32>} : memref<4x2x4096xf32, #tpu.memory_space<vmem>>, vector<16xf32>,
        %parallel_loop3A_456 = arith.mulf %parallel_loop3A_449, %parallel_loop3A_455 : vector<16xf32>
        %parallel_loop3A_457 = arith.constant 1 : i32
        %parallel_loop3A_458 = arith.constant 0 : i32
        %parallel_loop3A_459 = arith.index_cast %parallel_loop3A_457 : i32 to index
        %parallel_loop3A_460 = arith.index_cast %parallel_loop3A_458 : i32 to index
        %parallel_loop3A_461 = arith.index_cast %parallel_loop3A_440 : i32 to index
        %parallel_loop3A_462 = tpu.vector_load %arg8[%parallel_loop3A_459, %parallel_loop3A_460, %parallel_loop3A_461] {strides = array<i32>} : memref<4x2x4096xf32, #tpu.memory_space<vmem>>, vector<16xf32>,
        tpu.vector_store %arg8[%parallel_loop3A_459, %parallel_loop3A_460, %parallel_loop3A_461], %parallel_loop3A_456 {strides = array<i32>} : memref<4x2x4096xf32, #tpu.memory_space<vmem>>, vector<16xf32>,
      } {sc.loop_unroll_factor = 8 : i64, sc.parallel_access}
      %parallel_loop3A_287 = arith.constant 0 : i32
      %parallel_loop3A_288 = arith.constant 256 : i32
      %parallel_loop3A_289 = arith.constant 1 : i32
      scf.for %parallel_loop3A_438 = %parallel_loop3A_287 to %parallel_loop3A_288 step %parallel_loop3A_289  : i32 {
        %parallel_loop3A_439 = arith.constant 16 : i32
        %parallel_loop3A_440 = arith.muli %parallel_loop3A_438, %parallel_loop3A_439 : i32
        %parallel_loop3A_441 = arith.constant 1 : i32
        %parallel_loop3A_442 = arith.constant 1 : i32
        %parallel_loop3A_443 = arith.index_cast %parallel_loop3A_441 : i32 to index
        %parallel_loop3A_444 = arith.index_cast %parallel_loop3A_442 : i32 to index
        %parallel_loop3A_445 = arith.index_cast %parallel_loop3A_440 : i32 to index
        %parallel_loop3A_446 = tpu.vector_load %arg7[%parallel_loop3A_443, %parallel_loop3A_444, %parallel_loop3A_445] {strides = array<i32>} : memref<4x2x4096xi32, #tpu.memory_space<vmem>>, vector<16xi32>,
        %parallel_loop3A_447 = vector.shape_cast %parallel_loop3A_446 : vector<16xi32> to vector<16x1xi32>
        %parallel_loop3A_448 = vector.shape_cast %parallel_loop3A_447 : vector<16x1xi32> to vector<16xi32>
        %parallel_loop3A_449 = tpu.dynamic_gather %gather3A_11[%parallel_loop3A_448] in [0] : vector<16xf32>, vector<16xi32> -> vector<16xf32>
        %parallel_loop3A_450 = arith.constant 1 : i32
        %parallel_loop3A_451 = arith.constant 1 : i32
        %parallel_loop3A_452 = arith.index_cast %parallel_loop3A_450 : i32 to index
        %parallel_loop3A_453 = arith.index_cast %parallel_loop3A_451 : i32 to index
        %parallel_loop3A_454 = arith.index_cast %parallel_loop3A_440 : i32 to index
        %parallel_loop3A_455 = tpu.vector_load %arg8[%parallel_loop3A_452, %parallel_loop3A_453, %parallel_loop3A_454] {strides = array<i32>} : memref<4x2x4096xf32, #tpu.memory_space<vmem>>, vector<16xf32>,
        %parallel_loop3A_456 = arith.mulf %parallel_loop3A_449, %parallel_loop3A_455 : vector<16xf32>
        %parallel_loop3A_457 = arith.constant 1 : i32
        %parallel_loop3A_458 = arith.constant 1 : i32
        %parallel_loop3A_459 = arith.index_cast %parallel_loop3A_457 : i32 to index
        %parallel_loop3A_460 = arith.index_cast %parallel_loop3A_458 : i32 to index
        %parallel_loop3A_461 = arith.index_cast %parallel_loop3A_440 : i32 to index
        %parallel_loop3A_462 = tpu.vector_load %arg8[%parallel_loop3A_459, %parallel_loop3A_460, %parallel_loop3A_461] {strides = array<i32>} : memref<4x2x4096xf32, #tpu.memory_space<vmem>>, vector<16xf32>,
        tpu.vector_store %arg8[%parallel_loop3A_459, %parallel_loop3A_460, %parallel_loop3A_461], %parallel_loop3A_456 {strides = array<i32>} : memref<4x2x4096xf32, #tpu.memory_space<vmem>>, vector<16xf32>,
      } {sc.loop_unroll_factor = 8 : i64, sc.parallel_access}
      %add3A_290 = arith.constant 4 : i32
      %add3A_291 = arith.addi %add3A_249, %add3A_290 : i32
      %lt3A_292 = arith.constant 64 : i32
      %lt3A_293 = arith.cmpi slt, %add3A_291, %lt3A_292 : i32
      %convert_element_type3A_294 = arith.extui %lt3A_293 : i1 to i32
      %cond3A_295 = arith.constant 0 : i32
      %cond3A_296 = arith.cmpi ne, %convert_element_type3A_294, %cond3A_295 : i32
      scf.if %cond3A_296 {
        %add3A_438 = arith.constant 4 : i32
        %add3A_439 = arith.addi %add3A_249, %add3A_438 : i32
        %mul3A_440 = arith.constant 2 : i32
        %mul3A_441 = arith.muli %add3A_439, %mul3A_440 : i32
        %add3A_442 = arith.addi %mul3A_2, %mul3A_441 : i32
        %dma_start3A_443 = arith.constant 1 : i32
        %dma_start3A_444 = arith.constant 0 : i32
        %dma_start3A_445 = arith.constant 0 : i32
        %dma_start3A_446 = tpu.memref_slice %arg7[%dma_start3A_443, %dma_start3A_444, %dma_start3A_445] : memref<4x2x4096xi32, #tpu.memory_space<vmem>> -> memref<1x2x4096xi32, #tpu.memory_space<vmem>>
        %dma_start3A_447 = tpu.memref_squeeze %dma_start3A_446 : memref<1x2x4096xi32, #tpu.memory_space<vmem>> -> memref<2x4096xi32, #tpu.memory_space<vmem>>
        %dma_start3A_448 = arith.constant 0 : i32
        %dma_start3A_449 = tpu.memref_slice %arg3[%add3A_442, %dma_start3A_448] : memref<4096x4096xi32, #tpu.memory_space<hbm>> -> memref<2x4096xi32, #tpu.memory_space<hbm>>
        %dma_start3A_450 = arith.constant 0 : i32
        %dma_start3A_451 = arith.constant 0 : i32
        %dma_start3A_452 = tpu.memref_slice %arg7[%dma_start3A_443, %dma_start3A_450, %dma_start3A_451] : memref<4x2x4096xi32, #tpu.memory_space<vmem>> -> memref<1x2x4096xi32, #tpu.memory_space<vmem>>
        %dma_start3A_453 = tpu.memref_squeeze %dma_start3A_452 : memref<1x2x4096xi32, #tpu.memory_space<vmem>> -> memref<2x4096xi32, #tpu.memory_space<vmem>>
        %dma_start3A_454 = arith.constant 0 : i32
        %dma_start3A_455 = tpu.memref_slice %arg3[%add3A_442, %dma_start3A_454] : memref<4096x4096xi32, #tpu.memory_space<hbm>> -> memref<2x4096xi32, #tpu.memory_space<hbm>>
        tpu.enqueue_dma source(%dma_start3A_455 : memref<2x4096xi32, #tpu.memory_space<hbm>>) target(%dma_start3A_453 : memref<2x4096xi32, #tpu.memory_space<vmem>>) target_semaphore(%arg10 : memref<!tpu.dma_semaphore, #tpu.memory_space<semaphore_mem>>)
        %dma_start3A_456 = arith.constant 1 : i32
        %dma_start3A_457 = arith.constant 0 : i32
        %dma_start3A_458 = arith.constant 0 : i32
        %dma_start3A_459 = tpu.memref_slice %arg8[%dma_start3A_456, %dma_start3A_457, %dma_start3A_458] : memref<4x2x4096xf32, #tpu.memory_space<vmem>> -> memref<1x2x4096xf32, #tpu.memory_space<vmem>>
        %dma_start3A_460 = tpu.memref_squeeze %dma_start3A_459 : memref<1x2x4096xf32, #tpu.memory_space<vmem>> -> memref<2x4096xf32, #tpu.memory_space<vmem>>
        %dma_start3A_461 = arith.constant 0 : i32
        %dma_start3A_462 = tpu.memref_slice %arg4[%add3A_442, %dma_start3A_461] : memref<4096x4096xf32, #tpu.memory_space<hbm>> -> memref<2x4096xf32, #tpu.memory_space<hbm>>
        %dma_start3A_463 = arith.constant 0 : i32
        %dma_start3A_464 = arith.constant 0 : i32
        %dma_start3A_465 = tpu.memref_slice %arg8[%dma_start3A_456, %dma_start3A_463, %dma_start3A_464] : memref<4x2x4096xf32, #tpu.memory_space<vmem>> -> memref<1x2x4096xf32, #tpu.memory_space<vmem>>
        %dma_start3A_466 = tpu.memref_squeeze %dma_start3A_465 : memref<1x2x4096xf32, #tpu.memory_space<vmem>> -> memref<2x4096xf32, #tpu.memory_space<vmem>>
        %dma_start3A_467 = arith.constant 0 : i32
        %dma_start3A_468 = tpu.memref_slice %arg4[%add3A_442, %dma_start3A_467] : memref<4096x4096xf32, #tpu.memory_space<hbm>> -> memref<2x4096xf32, #tpu.memory_space<hbm>>
        tpu.enqueue_dma source(%dma_start3A_468 : memref<2x4096xf32, #tpu.memory_space<hbm>>) target(%dma_start3A_466 : memref<2x4096xf32, #tpu.memory_space<vmem>>) target_semaphore(%arg14 : memref<!tpu.dma_semaphore, #tpu.memory_space<semaphore_mem>>)
      } else {
      }
      %dma_start3A_297 = arith.constant 1 : i32
      %dma_start3A_298 = arith.constant 0 : i32
      %dma_start3A_299 = arith.constant 0 : i32
      %dma_start3A_300 = tpu.memref_slice %arg8[%dma_start3A_297, %dma_start3A_298, %dma_start3A_299] : memref<4x2x4096xf32, #tpu.memory_space<vmem>> -> memref<1x2x4096xf32, #tpu.memory_space<vmem>>
      %dma_start3A_301 = tpu.memref_squeeze %dma_start3A_300 : memref<1x2x4096xf32, #tpu.memory_space<vmem>> -> memref<2x4096xf32, #tpu.memory_space<vmem>>
      %dma_start3A_302 = arith.constant 0 : i32
      %dma_start3A_303 = tpu.memref_slice %arg5[%add3A_252, %dma_start3A_302] : memref<4096x4096xf32, #tpu.memory_space<hbm>> -> memref<2x4096xf32, #tpu.memory_space<hbm>>
      %dma_start3A_304 = arith.constant 0 : i32
      %dma_start3A_305 = tpu.memref_slice %arg5[%add3A_252, %dma_start3A_304] : memref<4096x4096xf32, #tpu.memory_space<hbm>> -> memref<2x4096xf32, #tpu.memory_space<hbm>>
      %dma_start3A_306 = arith.constant 0 : i32
      %dma_start3A_307 = arith.constant 0 : i32
      %dma_start3A_308 = tpu.memref_slice %arg8[%dma_start3A_297, %dma_start3A_306, %dma_start3A_307] : memref<4x2x4096xf32, #tpu.memory_space<vmem>> -> memref<1x2x4096xf32, #tpu.memory_space<vmem>>
      %dma_start3A_309 = tpu.memref_squeeze %dma_start3A_308 : memref<1x2x4096xf32, #tpu.memory_space<vmem>> -> memref<2x4096xf32, #tpu.memory_space<vmem>>
      tpu.enqueue_dma source(%dma_start3A_309 : memref<2x4096xf32, #tpu.memory_space<vmem>>) target(%dma_start3A_305 : memref<2x4096xf32, #tpu.memory_space<hbm>>) target_semaphore(%arg18 : memref<!tpu.dma_semaphore, #tpu.memory_space<semaphore_mem>>)
      %mul3A_310 = arith.constant 4 : i32
      %mul3A_311 = arith.muli %scan3A_186, %mul3A_310 : i32
      %add3A_312 = arith.constant 2 : i32
      %add3A_313 = arith.addi %mul3A_311, %add3A_312 : i32
      %mul3A_314 = arith.constant 2 : i32
      %mul3A_315 = arith.muli %add3A_313, %mul3A_314 : i32
      %add3A_316 = arith.addi %mul3A_2, %mul3A_315 : i32
      %dma_wait3A_317 = arith.constant 2 : i32
      %dma_wait3A_318 = arith.constant 0 : i32
      %dma_wait3A_319 = arith.constant 0 : i32
      %dma_wait3A_320 = tpu.memref_slice %arg7[%dma_wait3A_317, %dma_wait3A_318, %dma_wait3A_319] : memref<4x2x4096xi32, #tpu.memory_space<vmem>> -> memref<1x2x4096xi32, #tpu.memory_space<vmem>>
      %dma_wait3A_321 = tpu.memref_squeeze %dma_wait3A_320 : memref<1x2x4096xi32, #tpu.memory_space<vmem>> -> memref<2x4096xi32, #tpu.memory_space<vmem>>
      %dma_wait3A_322 = arith.constant 0 : i32
      %dma_wait3A_323 = tpu.memref_slice %arg3[%add3A_316, %dma_wait3A_322] : memref<4096x4096xi32, #tpu.memory_space<hbm>> -> memref<2x4096xi32, #tpu.memory_space<hbm>>
      %dma_wait3A_324 = arith.constant 0 : i32
      %dma_wait3A_325 = arith.constant 0 : i32
      %dma_wait3A_326 = tpu.memref_slice %arg7[%dma_wait3A_317, %dma_wait3A_324, %dma_wait3A_325] : memref<4x2x4096xi32, #tpu.memory_space<vmem>> -> memref<1x2x4096xi32, #tpu.memory_space<vmem>>
      %dma_wait3A_327 = tpu.memref_squeeze %dma_wait3A_326 : memref<1x2x4096xi32, #tpu.memory_space<vmem>> -> memref<2x4096xi32, #tpu.memory_space<vmem>>
      %dma_wait3A_328 = arith.constant 0 : i32
      %dma_wait3A_329 = tpu.memref_slice %arg3[%add3A_316, %dma_wait3A_328] : memref<4096x4096xi32, #tpu.memory_space<hbm>> -> memref<2x4096xi32, #tpu.memory_space<hbm>>
      tpu.wait_dma2 semaphore(%arg11 : memref<!tpu.dma_semaphore, #tpu.memory_space<semaphore_mem>>) src(%dma_wait3A_329 : memref<2x4096xi32, #tpu.memory_space<hbm>>) dst(%dma_wait3A_327 : memref<2x4096xi32, #tpu.memory_space<vmem>>)
      %dma_wait3A_330 = arith.constant 2 : i32
      %dma_wait3A_331 = arith.constant 0 : i32
      %dma_wait3A_332 = arith.constant 0 : i32
      %dma_wait3A_333 = tpu.memref_slice %arg8[%dma_wait3A_330, %dma_wait3A_331, %dma_wait3A_332] : memref<4x2x4096xf32, #tpu.memory_space<vmem>> -> memref<1x2x4096xf32, #tpu.memory_space<vmem>>
      %dma_wait3A_334 = tpu.memref_squeeze %dma_wait3A_333 : memref<1x2x4096xf32, #tpu.memory_space<vmem>> -> memref<2x4096xf32, #tpu.memory_space<vmem>>
      %dma_wait3A_335 = arith.constant 0 : i32
      %dma_wait3A_336 = tpu.memref_slice %arg4[%add3A_316, %dma_wait3A_335] : memref<4096x4096xf32, #tpu.memory_space<hbm>> -> memref<2x4096xf32, #tpu.memory_space<hbm>>
      %dma_wait3A_337 = arith.constant 0 : i32
      %dma_wait3A_338 = arith.constant 0 : i32
      %dma_wait3A_339 = tpu.memref_slice %arg8[%dma_wait3A_330, %dma_wait3A_337, %dma_wait3A_338] : memref<4x2x4096xf32, #tpu.memory_space<vmem>> -> memref<1x2x4096xf32, #tpu.memory_space<vmem>>
      %dma_wait3A_340 = tpu.memref_squeeze %dma_wait3A_339 : memref<1x2x4096xf32, #tpu.memory_space<vmem>> -> memref<2x4096xf32, #tpu.memory_space<vmem>>
      %dma_wait3A_341 = arith.constant 0 : i32
      %dma_wait3A_342 = tpu.memref_slice %arg4[%add3A_316, %dma_wait3A_341] : memref<4096x4096xf32, #tpu.memory_space<hbm>> -> memref<2x4096xf32, #tpu.memory_space<hbm>>
      tpu.wait_dma2 semaphore(%arg15 : memref<!tpu.dma_semaphore, #tpu.memory_space<semaphore_mem>>) src(%dma_wait3A_342 : memref<2x4096xf32, #tpu.memory_space<hbm>>) dst(%dma_wait3A_340 : memref<2x4096xf32, #tpu.memory_space<vmem>>)
      %ge3A_343 = arith.constant 4 : i32
      %ge3A_344 = arith.cmpi sge, %add3A_313, %ge3A_343 : i32
      %convert_element_type3A_345 = arith.extui %ge3A_344 : i1 to i32
      %cond3A_346 = arith.constant 0 : i32
      %cond3A_347 = arith.cmpi ne, %convert_element_type3A_345, %cond3A_346 : i32
      scf.if %cond3A_347 {
        %sub3A_438 = arith.constant 4 : i32
        %sub3A_439 = arith.subi %add3A_313, %sub3A_438 : i32
        %mul3A_440 = arith.constant 2 : i32
        %mul3A_441 = arith.muli %sub3A_439, %mul3A_440 : i32
        %add3A_442 = arith.addi %mul3A_2, %mul3A_441 : i32
        %dma_wait3A_443 = arith.constant 2 : i32
        %dma_wait3A_444 = arith.constant 0 : i32
        %dma_wait3A_445 = arith.constant 0 : i32
        %dma_wait3A_446 = tpu.memref_slice %arg8[%dma_wait3A_443, %dma_wait3A_444, %dma_wait3A_445] : memref<4x2x4096xf32, #tpu.memory_space<vmem>> -> memref<1x2x4096xf32, #tpu.memory_space<vmem>>
        %dma_wait3A_447 = tpu.memref_squeeze %dma_wait3A_446 : memref<1x2x4096xf32, #tpu.memory_space<vmem>> -> memref<2x4096xf32, #tpu.memory_space<vmem>>
        %dma_wait3A_448 = arith.constant 0 : i32
        %dma_wait3A_449 = tpu.memref_slice %arg5[%add3A_442, %dma_wait3A_448] : memref<4096x4096xf32, #tpu.memory_space<hbm>> -> memref<2x4096xf32, #tpu.memory_space<hbm>>
        %dma_wait3A_450 = arith.constant 0 : i32
        %dma_wait3A_451 = tpu.memref_slice %arg5[%add3A_442, %dma_wait3A_450] : memref<4096x4096xf32, #tpu.memory_space<hbm>> -> memref<2x4096xf32, #tpu.memory_space<hbm>>
        %dma_wait3A_452 = arith.constant 0 : i32
        %dma_wait3A_453 = arith.constant 0 : i32
        %dma_wait3A_454 = tpu.memref_slice %arg8[%dma_wait3A_443, %dma_wait3A_452, %dma_wait3A_453] : memref<4x2x4096xf32, #tpu.memory_space<vmem>> -> memref<1x2x4096xf32, #tpu.memory_space<vmem>>
        %dma_wait3A_455 = tpu.memref_squeeze %dma_wait3A_454 : memref<1x2x4096xf32, #tpu.memory_space<vmem>> -> memref<2x4096xf32, #tpu.memory_space<vmem>>
        tpu.wait_dma2 semaphore(%arg19 : memref<!tpu.dma_semaphore, #tpu.memory_space<semaphore_mem>>) src(%dma_wait3A_455 : memref<2x4096xf32, #tpu.memory_space<vmem>>) dst(%dma_wait3A_451 : memref<2x4096xf32, #tpu.memory_space<hbm>>)
      } else {
      }
      %parallel_loop3A_348 = arith.constant 0 : i32
      %parallel_loop3A_349 = arith.constant 256 : i32
      %parallel_loop3A_350 = arith.constant 1 : i32
      scf.for %parallel_loop3A_438 = %parallel_loop3A_348 to %parallel_loop3A_349 step %parallel_loop3A_350  : i32 {
        %parallel_loop3A_439 = arith.constant 16 : i32
        %parallel_loop3A_440 = arith.muli %parallel_loop3A_438, %parallel_loop3A_439 : i32
        %parallel_loop3A_441 = arith.constant 2 : i32
        %parallel_loop3A_442 = arith.constant 0 : i32
        %parallel_loop3A_443 = arith.index_cast %parallel_loop3A_441 : i32 to index
        %parallel_loop3A_444 = arith.index_cast %parallel_loop3A_442 : i32 to index
        %parallel_loop3A_445 = arith.index_cast %parallel_loop3A_440 : i32 to index
        %parallel_loop3A_446 = tpu.vector_load %arg7[%parallel_loop3A_443, %parallel_loop3A_444, %parallel_loop3A_445] {strides = array<i32>} : memref<4x2x4096xi32, #tpu.memory_space<vmem>>, vector<16xi32>,
        %parallel_loop3A_447 = vector.shape_cast %parallel_loop3A_446 : vector<16xi32> to vector<16x1xi32>
        %parallel_loop3A_448 = vector.shape_cast %parallel_loop3A_447 : vector<16x1xi32> to vector<16xi32>
        %parallel_loop3A_449 = tpu.dynamic_gather %gather3A_11[%parallel_loop3A_448] in [0] : vector<16xf32>, vector<16xi32> -> vector<16xf32>
        %parallel_loop3A_450 = arith.constant 2 : i32
        %parallel_loop3A_451 = arith.constant 0 : i32
        %parallel_loop3A_452 = arith.index_cast %parallel_loop3A_450 : i32 to index
        %parallel_loop3A_453 = arith.index_cast %parallel_loop3A_451 : i32 to index
        %parallel_loop3A_454 = arith.index_cast %parallel_loop3A_440 : i32 to index
        %parallel_loop3A_455 = tpu.vector_load %arg8[%parallel_loop3A_452, %parallel_loop3A_453, %parallel_loop3A_454] {strides = array<i32>} : memref<4x2x4096xf32, #tpu.memory_space<vmem>>, vector<16xf32>,
        %parallel_loop3A_456 = arith.mulf %parallel_loop3A_449, %parallel_loop3A_455 : vector<16xf32>
        %parallel_loop3A_457 = arith.constant 2 : i32
        %parallel_loop3A_458 = arith.constant 0 : i32
        %parallel_loop3A_459 = arith.index_cast %parallel_loop3A_457 : i32 to index
        %parallel_loop3A_460 = arith.index_cast %parallel_loop3A_458 : i32 to index
        %parallel_loop3A_461 = arith.index_cast %parallel_loop3A_440 : i32 to index
        %parallel_loop3A_462 = tpu.vector_load %arg8[%parallel_loop3A_459, %parallel_loop3A_460, %parallel_loop3A_461] {strides = array<i32>} : memref<4x2x4096xf32, #tpu.memory_space<vmem>>, vector<16xf32>,
        tpu.vector_store %arg8[%parallel_loop3A_459, %parallel_loop3A_460, %parallel_loop3A_461], %parallel_loop3A_456 {strides = array<i32>} : memref<4x2x4096xf32, #tpu.memory_space<vmem>>, vector<16xf32>,
      } {sc.loop_unroll_factor = 8 : i64, sc.parallel_access}
      %parallel_loop3A_351 = arith.constant 0 : i32
      %parallel_loop3A_352 = arith.constant 256 : i32
      %parallel_loop3A_353 = arith.constant 1 : i32
      scf.for %parallel_loop3A_438 = %parallel_loop3A_351 to %parallel_loop3A_352 step %parallel_loop3A_353  : i32 {
        %parallel_loop3A_439 = arith.constant 16 : i32
        %parallel_loop3A_440 = arith.muli %parallel_loop3A_438, %parallel_loop3A_439 : i32
        %parallel_loop3A_441 = arith.constant 2 : i32
        %parallel_loop3A_442 = arith.constant 1 : i32
        %parallel_loop3A_443 = arith.index_cast %parallel_loop3A_441 : i32 to index
        %parallel_loop3A_444 = arith.index_cast %parallel_loop3A_442 : i32 to index
        %parallel_loop3A_445 = arith.index_cast %parallel_loop3A_440 : i32 to index
        %parallel_loop3A_446 = tpu.vector_load %arg7[%parallel_loop3A_443, %parallel_loop3A_444, %parallel_loop3A_445] {strides = array<i32>} : memref<4x2x4096xi32, #tpu.memory_space<vmem>>, vector<16xi32>,
        %parallel_loop3A_447 = vector.shape_cast %parallel_loop3A_446 : vector<16xi32> to vector<16x1xi32>
        %parallel_loop3A_448 = vector.shape_cast %parallel_loop3A_447 : vector<16x1xi32> to vector<16xi32>
        %parallel_loop3A_449 = tpu.dynamic_gather %gather3A_11[%parallel_loop3A_448] in [0] : vector<16xf32>, vector<16xi32> -> vector<16xf32>
        %parallel_loop3A_450 = arith.constant 2 : i32
        %parallel_loop3A_451 = arith.constant 1 : i32
        %parallel_loop3A_452 = arith.index_cast %parallel_loop3A_450 : i32 to index
        %parallel_loop3A_453 = arith.index_cast %parallel_loop3A_451 : i32 to index
        %parallel_loop3A_454 = arith.index_cast %parallel_loop3A_440 : i32 to index
        %parallel_loop3A_455 = tpu.vector_load %arg8[%parallel_loop3A_452, %parallel_loop3A_453, %parallel_loop3A_454] {strides = array<i32>} : memref<4x2x4096xf32, #tpu.memory_space<vmem>>, vector<16xf32>,
        %parallel_loop3A_456 = arith.mulf %parallel_loop3A_449, %parallel_loop3A_455 : vector<16xf32>
        %parallel_loop3A_457 = arith.constant 2 : i32
        %parallel_loop3A_458 = arith.constant 1 : i32
        %parallel_loop3A_459 = arith.index_cast %parallel_loop3A_457 : i32 to index
        %parallel_loop3A_460 = arith.index_cast %parallel_loop3A_458 : i32 to index
        %parallel_loop3A_461 = arith.index_cast %parallel_loop3A_440 : i32 to index
        %parallel_loop3A_462 = tpu.vector_load %arg8[%parallel_loop3A_459, %parallel_loop3A_460, %parallel_loop3A_461] {strides = array<i32>} : memref<4x2x4096xf32, #tpu.memory_space<vmem>>, vector<16xf32>,
        tpu.vector_store %arg8[%parallel_loop3A_459, %parallel_loop3A_460, %parallel_loop3A_461], %parallel_loop3A_456 {strides = array<i32>} : memref<4x2x4096xf32, #tpu.memory_space<vmem>>, vector<16xf32>,
      } {sc.loop_unroll_factor = 8 : i64, sc.parallel_access}
      %add3A_354 = arith.constant 4 : i32
      %add3A_355 = arith.addi %add3A_313, %add3A_354 : i32
      %lt3A_356 = arith.constant 64 : i32
      %lt3A_357 = arith.cmpi slt, %add3A_355, %lt3A_356 : i32
      %convert_element_type3A_358 = arith.extui %lt3A_357 : i1 to i32
      %cond3A_359 = arith.constant 0 : i32
      %cond3A_360 = arith.cmpi ne, %convert_element_type3A_358, %cond3A_359 : i32
      scf.if %cond3A_360 {
        %add3A_438 = arith.constant 4 : i32
        %add3A_439 = arith.addi %add3A_313, %add3A_438 : i32
        %mul3A_440 = arith.constant 2 : i32
        %mul3A_441 = arith.muli %add3A_439, %mul3A_440 : i32
        %add3A_442 = arith.addi %mul3A_2, %mul3A_441 : i32
        %dma_start3A_443 = arith.constant 2 : i32
        %dma_start3A_444 = arith.constant 0 : i32
        %dma_start3A_445 = arith.constant 0 : i32
        %dma_start3A_446 = tpu.memref_slice %arg7[%dma_start3A_443, %dma_start3A_444, %dma_start3A_445] : memref<4x2x4096xi32, #tpu.memory_space<vmem>> -> memref<1x2x4096xi32, #tpu.memory_space<vmem>>
        %dma_start3A_447 = tpu.memref_squeeze %dma_start3A_446 : memref<1x2x4096xi32, #tpu.memory_space<vmem>> -> memref<2x4096xi32, #tpu.memory_space<vmem>>
        %dma_start3A_448 = arith.constant 0 : i32
        %dma_start3A_449 = tpu.memref_slice %arg3[%add3A_442, %dma_start3A_448] : memref<4096x4096xi32, #tpu.memory_space<hbm>> -> memref<2x4096xi32, #tpu.memory_space<hbm>>
        %dma_start3A_450 = arith.constant 0 : i32
        %dma_start3A_451 = arith.constant 0 : i32
        %dma_start3A_452 = tpu.memref_slice %arg7[%dma_start3A_443, %dma_start3A_450, %dma_start3A_451] : memref<4x2x4096xi32, #tpu.memory_space<vmem>> -> memref<1x2x4096xi32, #tpu.memory_space<vmem>>
        %dma_start3A_453 = tpu.memref_squeeze %dma_start3A_452 : memref<1x2x4096xi32, #tpu.memory_space<vmem>> -> memref<2x4096xi32, #tpu.memory_space<vmem>>
        %dma_start3A_454 = arith.constant 0 : i32
        %dma_start3A_455 = tpu.memref_slice %arg3[%add3A_442, %dma_start3A_454] : memref<4096x4096xi32, #tpu.memory_space<hbm>> -> memref<2x4096xi32, #tpu.memory_space<hbm>>
        tpu.enqueue_dma source(%dma_start3A_455 : memref<2x4096xi32, #tpu.memory_space<hbm>>) target(%dma_start3A_453 : memref<2x4096xi32, #tpu.memory_space<vmem>>) target_semaphore(%arg11 : memref<!tpu.dma_semaphore, #tpu.memory_space<semaphore_mem>>)
        %dma_start3A_456 = arith.constant 2 : i32
        %dma_start3A_457 = arith.constant 0 : i32
        %dma_start3A_458 = arith.constant 0 : i32
        %dma_start3A_459 = tpu.memref_slice %arg8[%dma_start3A_456, %dma_start3A_457, %dma_start3A_458] : memref<4x2x4096xf32, #tpu.memory_space<vmem>> -> memref<1x2x4096xf32, #tpu.memory_space<vmem>>
        %dma_start3A_460 = tpu.memref_squeeze %dma_start3A_459 : memref<1x2x4096xf32, #tpu.memory_space<vmem>> -> memref<2x4096xf32, #tpu.memory_space<vmem>>
        %dma_start3A_461 = arith.constant 0 : i32
        %dma_start3A_462 = tpu.memref_slice %arg4[%add3A_442, %dma_start3A_461] : memref<4096x4096xf32, #tpu.memory_space<hbm>> -> memref<2x4096xf32, #tpu.memory_space<hbm>>
        %dma_start3A_463 = arith.constant 0 : i32
        %dma_start3A_464 = arith.constant 0 : i32
        %dma_start3A_465 = tpu.memref_slice %arg8[%dma_start3A_456, %dma_start3A_463, %dma_start3A_464] : memref<4x2x4096xf32, #tpu.memory_space<vmem>> -> memref<1x2x4096xf32, #tpu.memory_space<vmem>>
        %dma_start3A_466 = tpu.memref_squeeze %dma_start3A_465 : memref<1x2x4096xf32, #tpu.memory_space<vmem>> -> memref<2x4096xf32, #tpu.memory_space<vmem>>
        %dma_start3A_467 = arith.constant 0 : i32
        %dma_start3A_468 = tpu.memref_slice %arg4[%add3A_442, %dma_start3A_467] : memref<4096x4096xf32, #tpu.memory_space<hbm>> -> memref<2x4096xf32, #tpu.memory_space<hbm>>
        tpu.enqueue_dma source(%dma_start3A_468 : memref<2x4096xf32, #tpu.memory_space<hbm>>) target(%dma_start3A_466 : memref<2x4096xf32, #tpu.memory_space<vmem>>) target_semaphore(%arg15 : memref<!tpu.dma_semaphore, #tpu.memory_space<semaphore_mem>>)
      } else {
      }
      %dma_start3A_361 = arith.constant 2 : i32
      %dma_start3A_362 = arith.constant 0 : i32
      %dma_start3A_363 = arith.constant 0 : i32
      %dma_start3A_364 = tpu.memref_slice %arg8[%dma_start3A_361, %dma_start3A_362, %dma_start3A_363] : memref<4x2x4096xf32, #tpu.memory_space<vmem>> -> memref<1x2x4096xf32, #tpu.memory_space<vmem>>
      %dma_start3A_365 = tpu.memref_squeeze %dma_start3A_364 : memref<1x2x4096xf32, #tpu.memory_space<vmem>> -> memref<2x4096xf32, #tpu.memory_space<vmem>>
      %dma_start3A_366 = arith.constant 0 : i32
      %dma_start3A_367 = tpu.memref_slice %arg5[%add3A_316, %dma_start3A_366] : memref<4096x4096xf32, #tpu.memory_space<hbm>> -> memref<2x4096xf32, #tpu.memory_space<hbm>>
      %dma_start3A_368 = arith.constant 0 : i32
      %dma_start3A_369 = tpu.memref_slice %arg5[%add3A_316, %dma_start3A_368] : memref<4096x4096xf32, #tpu.memory_space<hbm>> -> memref<2x4096xf32, #tpu.memory_space<hbm>>
      %dma_start3A_370 = arith.constant 0 : i32
      %dma_start3A_371 = arith.constant 0 : i32
      %dma_start3A_372 = tpu.memref_slice %arg8[%dma_start3A_361, %dma_start3A_370, %dma_start3A_371] : memref<4x2x4096xf32, #tpu.memory_space<vmem>> -> memref<1x2x4096xf32, #tpu.memory_space<vmem>>
      %dma_start3A_373 = tpu.memref_squeeze %dma_start3A_372 : memref<1x2x4096xf32, #tpu.memory_space<vmem>> -> memref<2x4096xf32, #tpu.memory_space<vmem>>
      tpu.enqueue_dma source(%dma_start3A_373 : memref<2x4096xf32, #tpu.memory_space<vmem>>) target(%dma_start3A_369 : memref<2x4096xf32, #tpu.memory_space<hbm>>) target_semaphore(%arg19 : memref<!tpu.dma_semaphore, #tpu.memory_space<semaphore_mem>>)
      %mul3A_374 = arith.constant 4 : i32
      %mul3A_375 = arith.muli %scan3A_186, %mul3A_374 : i32
      %add3A_376 = arith.constant 3 : i32
      %add3A_377 = arith.addi %mul3A_375, %add3A_376 : i32
      %mul3A_378 = arith.constant 2 : i32
      %mul3A_379 = arith.muli %add3A_377, %mul3A_378 : i32
      %add3A_380 = arith.addi %mul3A_2, %mul3A_379 : i32
      %dma_wait3A_381 = arith.constant 3 : i32
      %dma_wait3A_382 = arith.constant 0 : i32
      %dma_wait3A_383 = arith.constant 0 : i32
      %dma_wait3A_384 = tpu.memref_slice %arg7[%dma_wait3A_381, %dma_wait3A_382, %dma_wait3A_383] : memref<4x2x4096xi32, #tpu.memory_space<vmem>> -> memref<1x2x4096xi32, #tpu.memory_space<vmem>>
      %dma_wait3A_385 = tpu.memref_squeeze %dma_wait3A_384 : memref<1x2x4096xi32, #tpu.memory_space<vmem>> -> memref<2x4096xi32, #tpu.memory_space<vmem>>
      %dma_wait3A_386 = arith.constant 0 : i32
      %dma_wait3A_387 = tpu.memref_slice %arg3[%add3A_380, %dma_wait3A_386] : memref<4096x4096xi32, #tpu.memory_space<hbm>> -> memref<2x4096xi32, #tpu.memory_space<hbm>>
      %dma_wait3A_388 = arith.constant 0 : i32
      %dma_wait3A_389 = arith.constant 0 : i32
      %dma_wait3A_390 = tpu.memref_slice %arg7[%dma_wait3A_381, %dma_wait3A_388, %dma_wait3A_389] : memref<4x2x4096xi32, #tpu.memory_space<vmem>> -> memref<1x2x4096xi32, #tpu.memory_space<vmem>>
      %dma_wait3A_391 = tpu.memref_squeeze %dma_wait3A_390 : memref<1x2x4096xi32, #tpu.memory_space<vmem>> -> memref<2x4096xi32, #tpu.memory_space<vmem>>
      %dma_wait3A_392 = arith.constant 0 : i32
      %dma_wait3A_393 = tpu.memref_slice %arg3[%add3A_380, %dma_wait3A_392] : memref<4096x4096xi32, #tpu.memory_space<hbm>> -> memref<2x4096xi32, #tpu.memory_space<hbm>>
      tpu.wait_dma2 semaphore(%arg12 : memref<!tpu.dma_semaphore, #tpu.memory_space<semaphore_mem>>) src(%dma_wait3A_393 : memref<2x4096xi32, #tpu.memory_space<hbm>>) dst(%dma_wait3A_391 : memref<2x4096xi32, #tpu.memory_space<vmem>>)
      %dma_wait3A_394 = arith.constant 3 : i32
      %dma_wait3A_395 = arith.constant 0 : i32
      %dma_wait3A_396 = arith.constant 0 : i32
      %dma_wait3A_397 = tpu.memref_slice %arg8[%dma_wait3A_394, %dma_wait3A_395, %dma_wait3A_396] : memref<4x2x4096xf32, #tpu.memory_space<vmem>> -> memref<1x2x4096xf32, #tpu.memory_space<vmem>>
      %dma_wait3A_398 = tpu.memref_squeeze %dma_wait3A_397 : memref<1x2x4096xf32, #tpu.memory_space<vmem>> -> memref<2x4096xf32, #tpu.memory_space<vmem>>
      %dma_wait3A_399 = arith.constant 0 : i32
      %dma_wait3A_400 = tpu.memref_slice %arg4[%add3A_380, %dma_wait3A_399] : memref<4096x4096xf32, #tpu.memory_space<hbm>> -> memref<2x4096xf32, #tpu.memory_space<hbm>>
      %dma_wait3A_401 = arith.constant 0 : i32
      %dma_wait3A_402 = arith.constant 0 : i32
      %dma_wait3A_403 = tpu.memref_slice %arg8[%dma_wait3A_394, %dma_wait3A_401, %dma_wait3A_402] : memref<4x2x4096xf32, #tpu.memory_space<vmem>> -> memref<1x2x4096xf32, #tpu.memory_space<vmem>>
      %dma_wait3A_404 = tpu.memref_squeeze %dma_wait3A_403 : memref<1x2x4096xf32, #tpu.memory_space<vmem>> -> memref<2x4096xf32, #tpu.memory_space<vmem>>
      %dma_wait3A_405 = arith.constant 0 : i32
      %dma_wait3A_406 = tpu.memref_slice %arg4[%add3A_380, %dma_wait3A_405] : memref<4096x4096xf32, #tpu.memory_space<hbm>> -> memref<2x4096xf32, #tpu.memory_space<hbm>>
      tpu.wait_dma2 semaphore(%arg16 : memref<!tpu.dma_semaphore, #tpu.memory_space<semaphore_mem>>) src(%dma_wait3A_406 : memref<2x4096xf32, #tpu.memory_space<hbm>>) dst(%dma_wait3A_404 : memref<2x4096xf32, #tpu.memory_space<vmem>>)
      %ge3A_407 = arith.constant 4 : i32
      %ge3A_408 = arith.cmpi sge, %add3A_377, %ge3A_407 : i32
      %convert_element_type3A_409 = arith.extui %ge3A_408 : i1 to i32
      %cond3A_410 = arith.constant 0 : i32
      %cond3A_411 = arith.cmpi ne, %convert_element_type3A_409, %cond3A_410 : i32
      scf.if %cond3A_411 {
        %sub3A_438 = arith.constant 4 : i32
        %sub3A_439 = arith.subi %add3A_377, %sub3A_438 : i32
        %mul3A_440 = arith.constant 2 : i32
        %mul3A_441 = arith.muli %sub3A_439, %mul3A_440 : i32
        %add3A_442 = arith.addi %mul3A_2, %mul3A_441 : i32
        %dma_wait3A_443 = arith.constant 3 : i32
        %dma_wait3A_444 = arith.constant 0 : i32
        %dma_wait3A_445 = arith.constant 0 : i32
        %dma_wait3A_446 = tpu.memref_slice %arg8[%dma_wait3A_443, %dma_wait3A_444, %dma_wait3A_445] : memref<4x2x4096xf32, #tpu.memory_space<vmem>> -> memref<1x2x4096xf32, #tpu.memory_space<vmem>>
        %dma_wait3A_447 = tpu.memref_squeeze %dma_wait3A_446 : memref<1x2x4096xf32, #tpu.memory_space<vmem>> -> memref<2x4096xf32, #tpu.memory_space<vmem>>
        %dma_wait3A_448 = arith.constant 0 : i32
        %dma_wait3A_449 = tpu.memref_slice %arg5[%add3A_442, %dma_wait3A_448] : memref<4096x4096xf32, #tpu.memory_space<hbm>> -> memref<2x4096xf32, #tpu.memory_space<hbm>>
        %dma_wait3A_450 = arith.constant 0 : i32
        %dma_wait3A_451 = tpu.memref_slice %arg5[%add3A_442, %dma_wait3A_450] : memref<4096x4096xf32, #tpu.memory_space<hbm>> -> memref<2x4096xf32, #tpu.memory_space<hbm>>
        %dma_wait3A_452 = arith.constant 0 : i32
        %dma_wait3A_453 = arith.constant 0 : i32
        %dma_wait3A_454 = tpu.memref_slice %arg8[%dma_wait3A_443, %dma_wait3A_452, %dma_wait3A_453] : memref<4x2x4096xf32, #tpu.memory_space<vmem>> -> memref<1x2x4096xf32, #tpu.memory_space<vmem>>
        %dma_wait3A_455 = tpu.memref_squeeze %dma_wait3A_454 : memref<1x2x4096xf32, #tpu.memory_space<vmem>> -> memref<2x4096xf32, #tpu.memory_space<vmem>>
        tpu.wait_dma2 semaphore(%arg20 : memref<!tpu.dma_semaphore, #tpu.memory_space<semaphore_mem>>) src(%dma_wait3A_455 : memref<2x4096xf32, #tpu.memory_space<vmem>>) dst(%dma_wait3A_451 : memref<2x4096xf32, #tpu.memory_space<hbm>>)
      } else {
      }
      %parallel_loop3A_412 = arith.constant 0 : i32
      %parallel_loop3A_413 = arith.constant 256 : i32
      %parallel_loop3A_414 = arith.constant 1 : i32
      scf.for %parallel_loop3A_438 = %parallel_loop3A_412 to %parallel_loop3A_413 step %parallel_loop3A_414  : i32 {
        %parallel_loop3A_439 = arith.constant 16 : i32
        %parallel_loop3A_440 = arith.muli %parallel_loop3A_438, %parallel_loop3A_439 : i32
        %parallel_loop3A_441 = arith.constant 3 : i32
        %parallel_loop3A_442 = arith.constant 0 : i32
        %parallel_loop3A_443 = arith.index_cast %parallel_loop3A_441 : i32 to index
        %parallel_loop3A_444 = arith.index_cast %parallel_loop3A_442 : i32 to index
        %parallel_loop3A_445 = arith.index_cast %parallel_loop3A_440 : i32 to index
        %parallel_loop3A_446 = tpu.vector_load %arg7[%parallel_loop3A_443, %parallel_loop3A_444, %parallel_loop3A_445] {strides = array<i32>} : memref<4x2x4096xi32, #tpu.memory_space<vmem>>, vector<16xi32>,
        %parallel_loop3A_447 = vector.shape_cast %parallel_loop3A_446 : vector<16xi32> to vector<16x1xi32>
        %parallel_loop3A_448 = vector.shape_cast %parallel_loop3A_447 : vector<16x1xi32> to vector<16xi32>
        %parallel_loop3A_449 = tpu.dynamic_gather %gather3A_11[%parallel_loop3A_448] in [0] : vector<16xf32>, vector<16xi32> -> vector<16xf32>
        %parallel_loop3A_450 = arith.constant 3 : i32
        %parallel_loop3A_451 = arith.constant 0 : i32
        %parallel_loop3A_452 = arith.index_cast %parallel_loop3A_450 : i32 to index
        %parallel_loop3A_453 = arith.index_cast %parallel_loop3A_451 : i32 to index
        %parallel_loop3A_454 = arith.index_cast %parallel_loop3A_440 : i32 to index
        %parallel_loop3A_455 = tpu.vector_load %arg8[%parallel_loop3A_452, %parallel_loop3A_453, %parallel_loop3A_454] {strides = array<i32>} : memref<4x2x4096xf32, #tpu.memory_space<vmem>>, vector<16xf32>,
        %parallel_loop3A_456 = arith.mulf %parallel_loop3A_449, %parallel_loop3A_455 : vector<16xf32>
        %parallel_loop3A_457 = arith.constant 3 : i32
        %parallel_loop3A_458 = arith.constant 0 : i32
        %parallel_loop3A_459 = arith.index_cast %parallel_loop3A_457 : i32 to index
        %parallel_loop3A_460 = arith.index_cast %parallel_loop3A_458 : i32 to index
        %parallel_loop3A_461 = arith.index_cast %parallel_loop3A_440 : i32 to index
        %parallel_loop3A_462 = tpu.vector_load %arg8[%parallel_loop3A_459, %parallel_loop3A_460, %parallel_loop3A_461] {strides = array<i32>} : memref<4x2x4096xf32, #tpu.memory_space<vmem>>, vector<16xf32>,
        tpu.vector_store %arg8[%parallel_loop3A_459, %parallel_loop3A_460, %parallel_loop3A_461], %parallel_loop3A_456 {strides = array<i32>} : memref<4x2x4096xf32, #tpu.memory_space<vmem>>, vector<16xf32>,
      } {sc.loop_unroll_factor = 8 : i64, sc.parallel_access}
      %parallel_loop3A_415 = arith.constant 0 : i32
      %parallel_loop3A_416 = arith.constant 256 : i32
      %parallel_loop3A_417 = arith.constant 1 : i32
      scf.for %parallel_loop3A_438 = %parallel_loop3A_415 to %parallel_loop3A_416 step %parallel_loop3A_417  : i32 {
        %parallel_loop3A_439 = arith.constant 16 : i32
        %parallel_loop3A_440 = arith.muli %parallel_loop3A_438, %parallel_loop3A_439 : i32
        %parallel_loop3A_441 = arith.constant 3 : i32
        %parallel_loop3A_442 = arith.constant 1 : i32
        %parallel_loop3A_443 = arith.index_cast %parallel_loop3A_441 : i32 to index
        %parallel_loop3A_444 = arith.index_cast %parallel_loop3A_442 : i32 to index
        %parallel_loop3A_445 = arith.index_cast %parallel_loop3A_440 : i32 to index
        %parallel_loop3A_446 = tpu.vector_load %arg7[%parallel_loop3A_443, %parallel_loop3A_444, %parallel_loop3A_445] {strides = array<i32>} : memref<4x2x4096xi32, #tpu.memory_space<vmem>>, vector<16xi32>,
        %parallel_loop3A_447 = vector.shape_cast %parallel_loop3A_446 : vector<16xi32> to vector<16x1xi32>
        %parallel_loop3A_448 = vector.shape_cast %parallel_loop3A_447 : vector<16x1xi32> to vector<16xi32>
        %parallel_loop3A_449 = tpu.dynamic_gather %gather3A_11[%parallel_loop3A_448] in [0] : vector<16xf32>, vector<16xi32> -> vector<16xf32>
        %parallel_loop3A_450 = arith.constant 3 : i32
        %parallel_loop3A_451 = arith.constant 1 : i32
        %parallel_loop3A_452 = arith.index_cast %parallel_loop3A_450 : i32 to index
        %parallel_loop3A_453 = arith.index_cast %parallel_loop3A_451 : i32 to index
        %parallel_loop3A_454 = arith.index_cast %parallel_loop3A_440 : i32 to index
        %parallel_loop3A_455 = tpu.vector_load %arg8[%parallel_loop3A_452, %parallel_loop3A_453, %parallel_loop3A_454] {strides = array<i32>} : memref<4x2x4096xf32, #tpu.memory_space<vmem>>, vector<16xf32>,
        %parallel_loop3A_456 = arith.mulf %parallel_loop3A_449, %parallel_loop3A_455 : vector<16xf32>
        %parallel_loop3A_457 = arith.constant 3 : i32
        %parallel_loop3A_458 = arith.constant 1 : i32
        %parallel_loop3A_459 = arith.index_cast %parallel_loop3A_457 : i32 to index
        %parallel_loop3A_460 = arith.index_cast %parallel_loop3A_458 : i32 to index
        %parallel_loop3A_461 = arith.index_cast %parallel_loop3A_440 : i32 to index
        %parallel_loop3A_462 = tpu.vector_load %arg8[%parallel_loop3A_459, %parallel_loop3A_460, %parallel_loop3A_461] {strides = array<i32>} : memref<4x2x4096xf32, #tpu.memory_space<vmem>>, vector<16xf32>,
        tpu.vector_store %arg8[%parallel_loop3A_459, %parallel_loop3A_460, %parallel_loop3A_461], %parallel_loop3A_456 {strides = array<i32>} : memref<4x2x4096xf32, #tpu.memory_space<vmem>>, vector<16xf32>,
      } {sc.loop_unroll_factor = 8 : i64, sc.parallel_access}
      %add3A_418 = arith.constant 4 : i32
      %add3A_419 = arith.addi %add3A_377, %add3A_418 : i32
      %lt3A_420 = arith.constant 64 : i32
      %lt3A_421 = arith.cmpi slt, %add3A_419, %lt3A_420 : i32
      %convert_element_type3A_422 = arith.extui %lt3A_421 : i1 to i32
      %cond3A_423 = arith.constant 0 : i32
      %cond3A_424 = arith.cmpi ne, %convert_element_type3A_422, %cond3A_423 : i32
      scf.if %cond3A_424 {
        %add3A_438 = arith.constant 4 : i32
        %add3A_439 = arith.addi %add3A_377, %add3A_438 : i32
        %mul3A_440 = arith.constant 2 : i32
        %mul3A_441 = arith.muli %add3A_439, %mul3A_440 : i32
        %add3A_442 = arith.addi %mul3A_2, %mul3A_441 : i32
        %dma_start3A_443 = arith.constant 3 : i32
        %dma_start3A_444 = arith.constant 0 : i32
        %dma_start3A_445 = arith.constant 0 : i32
        %dma_start3A_446 = tpu.memref_slice %arg7[%dma_start3A_443, %dma_start3A_444, %dma_start3A_445] : memref<4x2x4096xi32, #tpu.memory_space<vmem>> -> memref<1x2x4096xi32, #tpu.memory_space<vmem>>
        %dma_start3A_447 = tpu.memref_squeeze %dma_start3A_446 : memref<1x2x4096xi32, #tpu.memory_space<vmem>> -> memref<2x4096xi32, #tpu.memory_space<vmem>>
        %dma_start3A_448 = arith.constant 0 : i32
        %dma_start3A_449 = tpu.memref_slice %arg3[%add3A_442, %dma_start3A_448] : memref<4096x4096xi32, #tpu.memory_space<hbm>> -> memref<2x4096xi32, #tpu.memory_space<hbm>>
        %dma_start3A_450 = arith.constant 0 : i32
        %dma_start3A_451 = arith.constant 0 : i32
        %dma_start3A_452 = tpu.memref_slice %arg7[%dma_start3A_443, %dma_start3A_450, %dma_start3A_451] : memref<4x2x4096xi32, #tpu.memory_space<vmem>> -> memref<1x2x4096xi32, #tpu.memory_space<vmem>>
        %dma_start3A_453 = tpu.memref_squeeze %dma_start3A_452 : memref<1x2x4096xi32, #tpu.memory_space<vmem>> -> memref<2x4096xi32, #tpu.memory_space<vmem>>
        %dma_start3A_454 = arith.constant 0 : i32
        %dma_start3A_455 = tpu.memref_slice %arg3[%add3A_442, %dma_start3A_454] : memref<4096x4096xi32, #tpu.memory_space<hbm>> -> memref<2x4096xi32, #tpu.memory_space<hbm>>
        tpu.enqueue_dma source(%dma_start3A_455 : memref<2x4096xi32, #tpu.memory_space<hbm>>) target(%dma_start3A_453 : memref<2x4096xi32, #tpu.memory_space<vmem>>) target_semaphore(%arg12 : memref<!tpu.dma_semaphore, #tpu.memory_space<semaphore_mem>>)
        %dma_start3A_456 = arith.constant 3 : i32
        %dma_start3A_457 = arith.constant 0 : i32
        %dma_start3A_458 = arith.constant 0 : i32
        %dma_start3A_459 = tpu.memref_slice %arg8[%dma_start3A_456, %dma_start3A_457, %dma_start3A_458] : memref<4x2x4096xf32, #tpu.memory_space<vmem>> -> memref<1x2x4096xf32, #tpu.memory_space<vmem>>
        %dma_start3A_460 = tpu.memref_squeeze %dma_start3A_459 : memref<1x2x4096xf32, #tpu.memory_space<vmem>> -> memref<2x4096xf32, #tpu.memory_space<vmem>>
        %dma_start3A_461 = arith.constant 0 : i32
        %dma_start3A_462 = tpu.memref_slice %arg4[%add3A_442, %dma_start3A_461] : memref<4096x4096xf32, #tpu.memory_space<hbm>> -> memref<2x4096xf32, #tpu.memory_space<hbm>>
        %dma_start3A_463 = arith.constant 0 : i32
        %dma_start3A_464 = arith.constant 0 : i32
        %dma_start3A_465 = tpu.memref_slice %arg8[%dma_start3A_456, %dma_start3A_463, %dma_start3A_464] : memref<4x2x4096xf32, #tpu.memory_space<vmem>> -> memref<1x2x4096xf32, #tpu.memory_space<vmem>>
        %dma_start3A_466 = tpu.memref_squeeze %dma_start3A_465 : memref<1x2x4096xf32, #tpu.memory_space<vmem>> -> memref<2x4096xf32, #tpu.memory_space<vmem>>
        %dma_start3A_467 = arith.constant 0 : i32
        %dma_start3A_468 = tpu.memref_slice %arg4[%add3A_442, %dma_start3A_467] : memref<4096x4096xf32, #tpu.memory_space<hbm>> -> memref<2x4096xf32, #tpu.memory_space<hbm>>
        tpu.enqueue_dma source(%dma_start3A_468 : memref<2x4096xf32, #tpu.memory_space<hbm>>) target(%dma_start3A_466 : memref<2x4096xf32, #tpu.memory_space<vmem>>) target_semaphore(%arg16 : memref<!tpu.dma_semaphore, #tpu.memory_space<semaphore_mem>>)
      } else {
      }
      %dma_start3A_425 = arith.constant 3 : i32
      %dma_start3A_426 = arith.constant 0 : i32
      %dma_start3A_427 = arith.constant 0 : i32
      %dma_start3A_428 = tpu.memref_slice %arg8[%dma_start3A_425, %dma_start3A_426, %dma_start3A_427] : memref<4x2x4096xf32, #tpu.memory_space<vmem>> -> memref<1x2x4096xf32, #tpu.memory_space<vmem>>
      %dma_start3A_429 = tpu.memref_squeeze %dma_start3A_428 : memref<1x2x4096xf32, #tpu.memory_space<vmem>> -> memref<2x4096xf32, #tpu.memory_space<vmem>>
      %dma_start3A_430 = arith.constant 0 : i32
      %dma_start3A_431 = tpu.memref_slice %arg5[%add3A_380, %dma_start3A_430] : memref<4096x4096xf32, #tpu.memory_space<hbm>> -> memref<2x4096xf32, #tpu.memory_space<hbm>>
      %dma_start3A_432 = arith.constant 0 : i32
      %dma_start3A_433 = tpu.memref_slice %arg5[%add3A_380, %dma_start3A_432] : memref<4096x4096xf32, #tpu.memory_space<hbm>> -> memref<2x4096xf32, #tpu.memory_space<hbm>>
      %dma_start3A_434 = arith.constant 0 : i32
      %dma_start3A_435 = arith.constant 0 : i32
      %dma_start3A_436 = tpu.memref_slice %arg8[%dma_start3A_425, %dma_start3A_434, %dma_start3A_435] : memref<4x2x4096xf32, #tpu.memory_space<vmem>> -> memref<1x2x4096xf32, #tpu.memory_space<vmem>>
      %dma_start3A_437 = tpu.memref_squeeze %dma_start3A_436 : memref<1x2x4096xf32, #tpu.memory_space<vmem>> -> memref<2x4096xf32, #tpu.memory_space<vmem>>
      tpu.enqueue_dma source(%dma_start3A_437 : memref<2x4096xf32, #tpu.memory_space<vmem>>) target(%dma_start3A_433 : memref<2x4096xf32, #tpu.memory_space<hbm>>) target_semaphore(%arg20 : memref<!tpu.dma_semaphore, #tpu.memory_space<semaphore_mem>>)
    }
    %scan3A_126 = arith.constant 16 : i32
    %add3A_127 = arith.constant 120 : i32
    %add3A_128 = arith.addi %mul3A_2, %add3A_127 : i32
    %dma_wait3A = arith.constant 0 : i32
    %dma_wait3A_129 = arith.constant 0 : i32
    %dma_wait3A_130 = arith.constant 0 : i32
    %dma_wait3A_131 = tpu.memref_slice %arg8[%dma_wait3A, %dma_wait3A_129, %dma_wait3A_130] : memref<4x2x4096xf32, #tpu.memory_space<vmem>> -> memref<1x2x4096xf32, #tpu.memory_space<vmem>>
    %dma_wait3A_132 = tpu.memref_squeeze %dma_wait3A_131 : memref<1x2x4096xf32, #tpu.memory_space<vmem>> -> memref<2x4096xf32, #tpu.memory_space<vmem>>
    %dma_wait3A_133 = arith.constant 0 : i32
    %dma_wait3A_134 = tpu.memref_slice %arg5[%add3A_128, %dma_wait3A_133] : memref<4096x4096xf32, #tpu.memory_space<hbm>> -> memref<2x4096xf32, #tpu.memory_space<hbm>>
    %dma_wait3A_135 = arith.constant 0 : i32
    %dma_wait3A_136 = tpu.memref_slice %arg5[%add3A_128, %dma_wait3A_135] : memref<4096x4096xf32, #tpu.memory_space<hbm>> -> memref<2x4096xf32, #tpu.memory_space<hbm>>
    %dma_wait3A_137 = arith.constant 0 : i32
    %dma_wait3A_138 = arith.constant 0 : i32
    %dma_wait3A_139 = tpu.memref_slice %arg8[%dma_wait3A, %dma_wait3A_137, %dma_wait3A_138] : memref<4x2x4096xf32, #tpu.memory_space<vmem>> -> memref<1x2x4096xf32, #tpu.memory_space<vmem>>
    %dma_wait3A_140 = tpu.memref_squeeze %dma_wait3A_139 : memref<1x2x4096xf32, #tpu.memory_space<vmem>> -> memref<2x4096xf32, #tpu.memory_space<vmem>>
    tpu.wait_dma2 semaphore(%arg17 : memref<!tpu.dma_semaphore, #tpu.memory_space<semaphore_mem>>) src(%dma_wait3A_140 : memref<2x4096xf32, #tpu.memory_space<vmem>>) dst(%dma_wait3A_136 : memref<2x4096xf32, #tpu.memory_space<hbm>>)
    %add3A_141 = arith.constant 122 : i32
    %add3A_142 = arith.addi %mul3A_2, %add3A_141 : i32
    %dma_wait3A_143 = arith.constant 1 : i32
    %dma_wait3A_144 = arith.constant 0 : i32
    %dma_wait3A_145 = arith.constant 0 : i32
    %dma_wait3A_146 = tpu.memref_slice %arg8[%dma_wait3A_143, %dma_wait3A_144, %dma_wait3A_145] : memref<4x2x4096xf32, #tpu.memory_space<vmem>> -> memref<1x2x4096xf32, #tpu.memory_space<vmem>>
    %dma_wait3A_147 = tpu.memref_squeeze %dma_wait3A_146 : memref<1x2x4096xf32, #tpu.memory_space<vmem>> -> memref<2x4096xf32, #tpu.memory_space<vmem>>
    %dma_wait3A_148 = arith.constant 0 : i32
    %dma_wait3A_149 = tpu.memref_slice %arg5[%add3A_142, %dma_wait3A_148] : memref<4096x4096xf32, #tpu.memory_space<hbm>> -> memref<2x4096xf32, #tpu.memory_space<hbm>>
    %dma_wait3A_150 = arith.constant 0 : i32
    %dma_wait3A_151 = tpu.memref_slice %arg5[%add3A_142, %dma_wait3A_150] : memref<4096x4096xf32, #tpu.memory_space<hbm>> -> memref<2x4096xf32, #tpu.memory_space<hbm>>
    %dma_wait3A_152 = arith.constant 0 : i32
    %dma_wait3A_153 = arith.constant 0 : i32
    %dma_wait3A_154 = tpu.memref_slice %arg8[%dma_wait3A_143, %dma_wait3A_152, %dma_wait3A_153] : memref<4x2x4096xf32, #tpu.memory_space<vmem>> -> memref<1x2x4096xf32, #tpu.memory_space<vmem>>
    %dma_wait3A_155 = tpu.memref_squeeze %dma_wait3A_154 : memref<1x2x4096xf32, #tpu.memory_space<vmem>> -> memref<2x4096xf32, #tpu.memory_space<vmem>>
    tpu.wait_dma2 semaphore(%arg18 : memref<!tpu.dma_semaphore, #tpu.memory_space<semaphore_mem>>) src(%dma_wait3A_155 : memref<2x4096xf32, #tpu.memory_space<vmem>>) dst(%dma_wait3A_151 : memref<2x4096xf32, #tpu.memory_space<hbm>>)
    %add3A_156 = arith.constant 124 : i32
    %add3A_157 = arith.addi %mul3A_2, %add3A_156 : i32
    %dma_wait3A_158 = arith.constant 2 : i32
    %dma_wait3A_159 = arith.constant 0 : i32
    %dma_wait3A_160 = arith.constant 0 : i32
    %dma_wait3A_161 = tpu.memref_slice %arg8[%dma_wait3A_158, %dma_wait3A_159, %dma_wait3A_160] : memref<4x2x4096xf32, #tpu.memory_space<vmem>> -> memref<1x2x4096xf32, #tpu.memory_space<vmem>>
    %dma_wait3A_162 = tpu.memref_squeeze %dma_wait3A_161 : memref<1x2x4096xf32, #tpu.memory_space<vmem>> -> memref<2x4096xf32, #tpu.memory_space<vmem>>
    %dma_wait3A_163 = arith.constant 0 : i32
    %dma_wait3A_164 = tpu.memref_slice %arg5[%add3A_157, %dma_wait3A_163] : memref<4096x4096xf32, #tpu.memory_space<hbm>> -> memref<2x4096xf32, #tpu.memory_space<hbm>>
    %dma_wait3A_165 = arith.constant 0 : i32
    %dma_wait3A_166 = tpu.memref_slice %arg5[%add3A_157, %dma_wait3A_165] : memref<4096x4096xf32, #tpu.memory_space<hbm>> -> memref<2x4096xf32, #tpu.memory_space<hbm>>
    %dma_wait3A_167 = arith.constant 0 : i32
    %dma_wait3A_168 = arith.constant 0 : i32
    %dma_wait3A_169 = tpu.memref_slice %arg8[%dma_wait3A_158, %dma_wait3A_167, %dma_wait3A_168] : memref<4x2x4096xf32, #tpu.memory_space<vmem>> -> memref<1x2x4096xf32, #tpu.memory_space<vmem>>
    %dma_wait3A_170 = tpu.memref_squeeze %dma_wait3A_169 : memref<1x2x4096xf32, #tpu.memory_space<vmem>> -> memref<2x4096xf32, #tpu.memory_space<vmem>>
    tpu.wait_dma2 semaphore(%arg19 : memref<!tpu.dma_semaphore, #tpu.memory_space<semaphore_mem>>) src(%dma_wait3A_170 : memref<2x4096xf32, #tpu.memory_space<vmem>>) dst(%dma_wait3A_166 : memref<2x4096xf32, #tpu.memory_space<hbm>>)
    %add3A_171 = arith.constant 126 : i32
    %add3A_172 = arith.addi %mul3A_2, %add3A_171 : i32
    %dma_wait3A_173 = arith.constant 3 : i32
    %dma_wait3A_174 = arith.constant 0 : i32
    %dma_wait3A_175 = arith.constant 0 : i32
    %dma_wait3A_176 = tpu.memref_slice %arg8[%dma_wait3A_173, %dma_wait3A_174, %dma_wait3A_175] : memref<4x2x4096xf32, #tpu.memory_space<vmem>> -> memref<1x2x4096xf32, #tpu.memory_space<vmem>>
    %dma_wait3A_177 = tpu.memref_squeeze %dma_wait3A_176 : memref<1x2x4096xf32, #tpu.memory_space<vmem>> -> memref<2x4096xf32, #tpu.memory_space<vmem>>
    %dma_wait3A_178 = arith.constant 0 : i32
    %dma_wait3A_179 = tpu.memref_slice %arg5[%add3A_172, %dma_wait3A_178] : memref<4096x4096xf32, #tpu.memory_space<hbm>> -> memref<2x4096xf32, #tpu.memory_space<hbm>>
    %dma_wait3A_180 = arith.constant 0 : i32
    %dma_wait3A_181 = tpu.memref_slice %arg5[%add3A_172, %dma_wait3A_180] : memref<4096x4096xf32, #tpu.memory_space<hbm>> -> memref<2x4096xf32, #tpu.memory_space<hbm>>
    %dma_wait3A_182 = arith.constant 0 : i32
    %dma_wait3A_183 = arith.constant 0 : i32
    %dma_wait3A_184 = tpu.memref_slice %arg8[%dma_wait3A_173, %dma_wait3A_182, %dma_wait3A_183] : memref<4x2x4096xf32, #tpu.memory_space<vmem>> -> memref<1x2x4096xf32, #tpu.memory_space<vmem>>
    %dma_wait3A_185 = tpu.memref_squeeze %dma_wait3A_184 : memref<1x2x4096xf32, #tpu.memory_space<vmem>> -> memref<2x4096xf32, #tpu.memory_space<vmem>>
    tpu.wait_dma2 semaphore(%arg20 : memref<!tpu.dma_semaphore, #tpu.memory_space<semaphore_mem>>) src(%dma_wait3A_185 : memref<2x4096xf32, #tpu.memory_space<vmem>>) dst(%dma_wait3A_181 : memref<2x4096xf32, #tpu.memory_space<hbm>>)
    return
  }
}

</mosaic_0001>

<sc_bundles>
// kernel: _spatial_encoding_sc.3.cloned.1.call-start
scs
__scs_entry_jumppad:
0x0: {  	(pc) =	sbr.rel $0x88, $3  }
0x1: {  	(tag) =	ssettag $0x0;
	lr =	simm.s32 $0x1  }
0x2: {  	[smem:$0x3F9E] =	sst lr;
	_ =	strace $0xD0000000  }
0x3: {  	_ = 	snop  }
0x4: {  	_ = 	snop  }
0x5: {  	_ = 	snop  }
0x6: {  	_ = 	snop  }
0x7: {  	_ = 	snop  }
__scs_overlays_trampoline_lowered:
0x8: {  	[smem:$0x3FAD] =	sst s0  }
0x9: {  	[smem:$0x3FAE] =	sst s1  }
0xa: {  	[smem:$0x3FAF] =	sst s2  }
0xb: {  	[smem:$0x3FB0] =	sst s3  }
0xc: {  	[smem:$0x3FB1] =	sst s4  }
0xd: {  	[smem:$0x3FB2] =	sst s5  }
0xe: {  	[smem:$0x3FB3] =	sst s6  }
0xf: {  	[smem:$0x3FB4] =	sst s7  }
0x10: {  	[smem:$0x3FB5] =	sst s8  }
0x11: {  	[smem:$0x3FB6] =	sst s9;
	s0 =	simm.s32 @!p0 $0x0  }
0x12: {  	s1 =	sld [smem:$0x3F9C];
	s0 =	simm.s32 @p0 $0x1  }
0x13: {  	[smem:$0x3FB7] =	sst s0;
	s0 =	simm.s32 @!p1 $0x0  }
0x14: {  	s2 =	sld [smem:$0x3F9B];
	s0 =	simm.s32 @p1 $0x1  }
0x15: {  	[smem:$0x3FB8] =	sst s0;
	s0 =	simm.s32 @!p2 $0x0  }
0x16: {  	s3 =	sld [smem:$0x3FDB];
	s0 =	simm.s32 @p2 $0x1  }
0x17: {  	s4 =	simm.s32 $0x1BF5;
	[smem:$0x3FBA] =	sst s0  }
0x18: {  	s0 =	sld [smem:$0x3F9D];
	_ =	swait.ge [sflag:s4], $0x0  }
0x19: {  	s7 =	sld [smem:$0x3F9E]  }
0x1a: {  	s8 =	sadd.s32 $0xFFFFE003, lr  }
0x1b: {  	s9 =	sadd.s32 $0xFFFFFEF7, lr;
	s5 =	simm.s32 $0xFFFFFFFF;
	p2 =	slt.u32 s8, $0xFFFFF086  }
0x1c: {  	p1 =	slt.u32 s9, $0xF7A;
	s5 =	simm.s32 @!p2 $0x0  }
0x1d: {  	s5 =	simm.s32 @p1 $0x1;
	p0 =	seq.s32 s7, s2  }
0x1e: {  	s7 =	smul.u32 @!p0 $0xF7A, s2;
	p2 =	seq.s32 @!p0 s5, $0x0  }
0x1f: {  	s9 =	smul.u32 $0xF7A, s1;
	s8 =	simm.s32 @!p0 $0x1BF5;
	p2 =	por !p2, p0  }
0x20: {  	[sflag:s8] =	ssyncset.s32 @!p0 $0xFFFFF086;
	s6 =	sadd.s32 @!p0 s3, s7;
	s7 =	simm.s32 @!p0 $0x108  }
0x21: {  	s3 =	sadd.s32 s3, s9;
	s6 =	sadd.s32 @!p0 $0x88, s6;
	s7 =	simm.s32 @p2 $0x1082  }
0x22: {  	[simem:s7], [sflag:s8] =	dma.local @!p0 [hbm:s6], $0xF7A  }
0x23: {  	s9 =	sor.u32 $0xD0000000, s2;
	s6 =	simm.s32 $0x108;
	_ =	swait.ge @!p0 [sflag:s8], $0x0  }
0x24: {  	s3 =	sadd.s32 $0x88, s3;
	s6 =	simm.s32 @!p1 $0x1082;
	[sflag:s4] =	ssyncset.s32 $0xFFFFF086  }
0x25: {  	[simem:s6], [sflag:s4] =	dma.local [hbm:s3], $0xF7A  }
0x26: {  	[smem:$0x3F9E] =	sst s1;
	(tag) =	ssettag s2;
	_ =	strace s9  }
0x27: {  	s1 =	sld [smem:$0x3FAE]  }
0x28: {  	s2 =	sld [smem:$0x3FAF]  }
0x29: {  	s4 =	sld [smem:$0x3FB1]  }
0x2a: {  	p0 =	seq.s32 s5, $0x0;
	s5 =	sld [smem:$0x3FB2]  }
0x2b: {  	s6 =	sld [smem:$0x3FB3]  }
0x2c: {  	s7 =	sld [smem:$0x3FB4]  }
0x2d: {  	s3 =	simm.s32 $0x108;
	s8 =	sld [smem:$0x3FB5]  }
0x2e: {  	s3 =	simm.s32 @!p0 $0x1082;
	s9 =	sld [smem:$0x3FB6]  }
0x2f: {  	lr =	sadd.s32 s0, s3;
	s0 =	sld [smem:$0x3FAD]  }
0x30: {  	s3 =	sld [smem:$0x3FB0]  }
0x31: {  	[smem:$0x3FB9] =	sst s10  }
0x32: {  	s10 =	sld [smem:$0x3FB7];
	_ =	sdelay $0x3  }
0x33: {  	p0 =	seq.s32 s10, $0x1;
	s10 =	sld [smem:$0x3FB9];
	_ =	sdelay $0x3  }
0x34: {  	[smem:$0x3FB9] =	sst s10  }
0x35: {  	s10 =	sld [smem:$0x3FB8];
	_ =	sdelay $0x3  }
0x36: {  	p1 =	seq.s32 s10, $0x1;
	s10 =	sld [smem:$0x3FB9];
	_ =	sdelay $0x3  }
0x37: {  	[smem:$0x3FB9] =	sst s10  }
0x38: {  	s10 =	sld [smem:$0x3FBA]  }
0x39: {  	_ = 	snop;
	(pc) =	sbr.ind lr, $3  }
0x3a: {  	_ = 	snop  }
0x3b: {  	_ = 	snop  }
0x3c: {  	p2 =	seq.s32 s10, $0x1;
	s10 =	sld [smem:$0x3FB9]  }
0x3d: {  	_ =	shalt  }
0x3e: {  	_ =	shalt  }
0x3f: {  	_ =	shalt  }
0x40: {  	_ =	shalt  }
0x41: {  	_ =	shalt  }
0x42: {  	_ =	shalt  }
0x43: {  	_ =	shalt  }
0x44: {  	_ =	shalt  }
0x45: {  	_ =	shalt  }
0x46: {  	_ =	shalt  }
0x47: {  	_ =	shalt  }
0x48: {  	_ =	shalt  }
0x49: {  	_ =	shalt  }
0x4a: {  	_ =	shalt  }
0x4b: {  	_ =	shalt  }
0x4c: {  	_ =	shalt  }
0x4d: {  	_ =	shalt  }
0x4e: {  	_ =	shalt  }
0x4f: {  	_ =	shalt  }
0x50: {  	_ =	shalt  }
0x51: {  	_ =	shalt  }
0x52: {  	_ =	shalt  }
0x53: {  	_ =	shalt  }
0x54: {  	_ =	shalt  }
0x55: {  	_ =	shalt  }
0x56: {  	_ =	shalt  }
0x57: {  	_ =	shalt  }
0x58: {  	_ =	shalt  }
0x59: {  	_ =	shalt  }
0x5a: {  	_ =	shalt  }
0x5b: {  	_ =	shalt  }
0x5c: {  	_ =	shalt  }
0x5d: {  	_ =	shalt  }
0x5e: {  	_ =	shalt  }
0x5f: {  	_ =	shalt  }
0x60: {  	_ =	shalt  }
0x61: {  	_ =	shalt  }
0x62: {  	_ =	shalt  }
0x63: {  	_ =	shalt  }
0x64: {  	_ =	shalt  }
0x65: {  	_ =	shalt  }
0x66: {  	_ =	shalt  }
0x67: {  	_ =	shalt  }
0x68: {  	_ =	shalt  }
0x69: {  	_ =	shalt  }
0x6a: {  	_ =	shalt  }
0x6b: {  	_ =	shalt  }
0x6c: {  	_ =	shalt  }
0x6d: {  	_ =	shalt  }
0x6e: {  	_ =	shalt  }
0x6f: {  	_ =	shalt  }
0x70: {  	_ =	shalt  }
0x71: {  	_ =	shalt  }
0x72: {  	_ =	shalt  }
0x73: {  	_ =	shalt  }
0x74: {  	_ =	shalt  }
0x75: {  	_ =	shalt  }
0x76: {  	_ =	shalt  }
0x77: {  	_ =	shalt  }
0x78: {  	_ =	shalt  }
0x79: {  	_ =	shalt  }
0x7a: {  	_ =	shalt  }
0x7b: {  	_ =	shalt  }
0x7c: {  	_ =	shalt  }
0x7d: {  	_ =	shalt  }
0x7e: {  	_ =	shalt  }
0x7f: {  	_ =	shalt  }
0x80: {  	_ =	shalt  }
0x81: {  	_ =	shalt  }
0x82: {  	_ =	shalt  }
0x83: {  	_ =	shalt  }
0x84: {  	_ =	shalt  }
0x85: {  	_ =	shalt  }
0x86: {  	_ =	shalt  }
0x87: {  	_ =	shalt  }
.Lfunc_end0:
.L_simem_size_0:
called_computation_lowered:
.L_overlay_start_0:
0x88: {  	s2 =	sld [smem:$0x3FD9]  }
0x89: {  	s3 =	sld [smem:$0x3FFE];
	_ =	sdelay $0x1  }
0x8a: {  	s1 =	srdreg.scid  }
0x8b: {  	s0 =	sand.u32 $0x1, s1  }
0x8c: {  	s18 =	sshll.u32 s0, $0xA;
	s2 =	sadd.s32 s3, s2  }
0x8d: {  	s2 =	sadd.s32 s2, s18  }
0x8e: {  	[smem:$0x3FC5] =	sst s2  }
0x8f: {  	_ = 	snop  }
0x90: {  	s2 =	sld [smem:$0x3FC9]  }
0x91: {  	s19 =	sld [smem:$0x3FC8]  }
0x92: {  	s4 =	sld [smem:$0x3FC7]  }
0x93: {  	s5 =	sld [smem:$0x3FD0];
	(tm) =	ssettm $0x1  }
0x94: {  	s6 =	sld [smem:$0x3FFB];
	_ =	sdelay $0x3  }
0x95: {  	_ =	strace s6  }
0x96: {  	s6 =	sld [smem:$0x3FFC];
	_ =	sdelay $0x3  }
0x97: {  	_ =	strace s6  }
0x98: {  	s6 =	sld [smem:$0x3FFD];
	_ =	sdelay $0x3  }
0x99: {  	_ =	strace s6  }
0x9a: {  	_ =	strace $0x8FFFFFFF  }
0x9b: {  	s20 =	sld [smem:$0x3FDB];
	_ =	sdelay $0x1  }
0x9c: {  	s7 =	simm.s32 $_scs_section_size  }
0x9d: {  	s8 =	simm.s32 $_size__tile_overlayer_lowered;
	s9 =	simm.s32 $_tile_overlayer_lowered  }
0x9e: {  	s23 =	simm.s32 $0x1BFF;
	s22 =	sshll.u32 s9, $0x1;
	s6 =	sadd.s32 s7, s20  }
0x9f: {  	s10 =	simm.s32 $0x0;
	s21 =	sshll.u32 s8, $0x1;
	s8 =	sadd.s32 s22, s6  }
0xa0: {  	[timem:s10], [sflag:s23] =	dma.local [hbm:s8], s21  }
0xa1: {  	_ =	swait.ge [sflag:s23], s21  }
0xa2: {  	s7 =	ssub.s32 $0x0, s21;
	[sflag:s23] =	ssyncset.done $0x0  }
0xa3: {  	[sflag:s23] =	ssyncadd.s32 s7;
	_ =	sdelay $0x1  }
0xa4: {  	s24 =	simm.s32 $0x1B8B  }
0xa5: {  	_ =	swait.ge [sflag:s24], $0x1  }
0xa6: {  	[sflag:s24] =	ssyncset.done $0x0  }
0xa7: {  	s25 =	simm.s32 $0x1B8E;
	[sflag:s24] =	ssyncadd.s32 $0xFFFFFFFF  }
0xa8: {  	s26 =	simm.s32 $execute0_lowered;
	[smem:$0x3FD2] =	sst s25  }
0xa9: {  	s7 =	sshll.u32 s26, $0x1;
	_ =	strace $0x80000046;
	[dreg:$0x1] =	wrdreg $0xFFFFFFFF  }
0xaa: {  	s28 =	simm.s32 $_size_execute0_lowered;
	s6 =	sadd.s32 s6, s7;
	[dreg:$0x0] =	wrdreg $0x0  }
0xab: {  	s7 =	sshll.u32 s28, $0x1;
	[dreg:$0x2] =	wrdreg s6  }
0xac: {  	[dreg:$0x3] =	wrdreg s7  }
0xad: {  	[dreg:$0x4] =	wrdreg $0xC0  }
0xae: {  	_ =	task [dreg:s10], $0x5FFFF  }
0xaf: {  	[dreg:$0x1] =	wrdreg $0xFFFFFFFF  }
0xb0: {  	[dreg:$0x0] =	wrdreg $0x60  }
0xb1: {  	[dreg:$0x2] =	wrdreg s2  }
0xb2: {  	[dreg:$0x3] =	wrdreg s19  }
0xb3: {  	[dreg:$0x4] =	wrdreg s4  }
0xb4: {  	[dreg:$0x5] =	wrdreg s5  }
0xb5: {  	[dreg:$0x6] =	wrdreg $0x9  }
0xb6: {  	_ =	task.clear_ibuf [dreg:s10], $0x7FFFF;
	_ =	strace $0x90000046  }
0xb7: {  	s29 =	simm.s32 $0x9;
	_ =	strace $0x80000048  }
0xb8: {  	_ =	swait.ge [sflag:s29], $0x1  }
0xb9: {  	[sflag:s29] =	ssyncadd.s32 $0xFFFFFFFF  }
0xba: {  	_ =	strace $0x90000048  }
0xbb: {  	_ =	sfence  }
0xbc: {  	s30 =	sld [smem:$0x0];
	_ =	sdelay $0x2  }
0xbd: {  	s31 =	sshll.u32 s1, $0xD;
	s1 =	sshrl.u32 s1, $0x2  }
0xbe: {  	s3 =	sand.u32 $0x4000, s31;
	s1 =	sadd.s32 s1, s30  }
0xbf: {  	s0 =	sor.u32 s3, s0;
	s1 =	sshll.u32 s1, $0x11  }
0xc0: {  	s0 =	sor.u32 s1, s0  }
0xc1: {  	s0 =	sadd.s32 $0x8F2B, s0  }
0xc2: {  	[sflag:s0] =	ssyncadd.remote.s32 $0x1  }
0xc3: {  	_ =	sfence.sel $0xFFFF  }
0xc4: {  	[dreg:$0x0] =	wrdreg $0xFFFFFFFF;
	(pc) =	sbr.abs _section_cstart, $3  }
0xc5: {  	[dreg:$0x1] =	wrdreg $0xFFFFFFFF  }
0xc6: {  	_ =	task.clear_ibuf [dreg:s10], $0x2FFFF;
	_ =	strace $0x9FFFFFFF  }
0xc7: {  	(tm) =	ssettm $0x7FFFFFFF  }
tec
execute0_lowered:
.L_overlay_start_1:
0x0: {  	(tag) =	ssettag $0x1  }
0x1: {  	s2 =	rddreg [dreg:$0x1]  }
0x2: {  	s4 =	rddreg [dreg:$0x2]  }
0x3: {  	s6 =	rddreg [dreg:$0x3]  }
0x4: {  	s0 =	srdreg.scid;
	s1 =	stileid.u32;
	s5 =	simm.s32 $0x0  }
0x5: {  	s28 =	simm.s32 $0x400;
	s29 =	simm.s32 $0xE080;
	s31 =	simm.s32 $0x1  }
0x6: {  	s8 =	simm.s32 $0x6;
	s9 =	simm.s32 $0x3;
	s10 =	simm.s32 $0x7  }
0x7: {  	s11 =	simm.s32 $0x4;
	s12 =	simm.s32 $0x8;
	s0 =	sand.u32 $0x1, s0  }
0x8: {  	s1 =	sshll.u32 s1, $0x8;
	s3 =	sshll.u32 s0, $0x7;
	s0 =	ssub.s32 $0x2, s0  }
0x9: {  	[smem:$0x7FF] =	sst s5;
	s1 =	sor.u32 s3, s1;
	s19 =	sshrl.u32 s0, $0x1  }
0xa: {  	_ =	strace $0x80000047;
	s7 =	sshll.u32 s1, $0x9;
	s0 =	ssub.s32 s0, s19  }
0xb: {  	s16 =	sshrl.u32 s1, $0x3;
	s19 =	sadd.s32 $0x20, s6;
	s20 =	sadd.s32 s2, s7  }
0xc: {  	s21 =	sor.u32 $0x20, s7;
	s22 =	sadd.s32 s4, s7;
	[dreg:$0x5] =	wrdreg s20  }
0xd: {  	s24 =	sor.u32 $0x40, s7;
	s0 =	smax.u32 s0, $0x1;
	[dreg:$0x6] =	wrdreg s22  }
0xe: {  	s26 =	sor.u32 $0x60, s7;
	s23 =	sadd.s32 s2, s21;
	[dreg:$0xd] =	wrdreg s0  }
0xf: {  	s17 =	sor.u32 $0x1000, s7;
	s3 =	sadd.s32 s4, s21;
	[dreg:$0x7] =	wrdreg s23  }
0x10: {  	s18 =	sor.u32 $0x1020, s7;
	s25 =	sadd.s32 s2, s24;
	[dreg:$0x8] =	wrdreg s3  }
0x11: {  	s5 =	sadd.s32 s4, s24;
	s30 =	sadd.s32 s2, s26;
	[dreg:$0x9] =	wrdreg s25  }
0x12: {  	v0 =	vimm.s32 $0x2010003;
	s20 =	sor.u32 $0x1040, s7;
	s21 =	sadd.s32 $0x40, s6;
	[dreg:$0xa] =	wrdreg s5  }
0x13: {  	v0 =	vunpack.c.0.s8.s32 v0;
	s22 =	sor.u32 $0x1060, s7;
	[dreg:$0xb] =	wrdreg s30;
	s3 =	sadd.s32 s4, s26  }
0x14: {  	vm0 =	vcmask $0x1304;
	s23 =	sadd.s32 $0x60, s6;
	s26 =	simm.s32 $0x100;
	s6 =	simm.s32 $0x2  }
0x15: {  	v0 =	vnsel vm0, $0x4, v0;
	s5 =	simm.s32 $0x0;
	[dreg:$0xc] =	wrdreg s3;
	s3 =	simm.s32 $0x5  }
.LBB2_1:
0x16: {  	[dreg:$0xe] =	wrdreg s5  }
0x17: {  	s0 =	rddreg [dreg:$0x0];
	s1 =	simm.s32 $0x0;
	s30 =	simm.s32 $0xD  }
0x18: {  	[tilespmem:s1], [sflag:$0xD] =	stream.linear.gather [hbm4b:s0+s1], $0x80, $0x38;
	[tilespmem:$0x10080] =	vst v63  }
0x19: {  	_ =	swait.ge [sflag:s30], $0x80  }
0x1a: {  	[sflag:s30] =	ssyncset.done $0x0  }
0x1b: {  	s5 =	simm.s32 $0x80;
	s1 =	rddreg [dreg:$0x5];
	[sflag:s30] =	ssyncadd.s32 $0xFFFFFF80  }
0x1c: {  	v1 =	vld [tilespmem:$0x0];
	[tilespmem:s5], [sflag:$0x1] =	stream.strided.gather [hbm4b:s1+s26], $0x2000, s28, s26, $0x38  }
0x1d: {  	s14 =	simm.s32 $0x8080;
	s13 =	rddreg [dreg:$0x6]  }
0x1e: {  	[tilespmem:s14], [sflag:$0x5] =	stream.strided.gather [hbm4b:s13+s26], $0x2000, s28, s26, $0x38;
	[tilespmem:$0x10080] =	vst v63  }
0x1f: {  	s24 =	simm.s32 $0x2080;
	s15 =	rddreg [dreg:$0x7]  }
0x20: {  	[tilespmem:s24], [sflag:$0x2] =	stream.strided.gather [hbm4b:s15+s26], $0x2000, s28, s26, $0x38;
	[tilespmem:$0x10080] =	vst v63  }
0x21: {  	s25 =	rddreg [dreg:$0x8];
	s30 =	simm.s32 $0xA080  }
0x22: {  	[tilespmem:s30], [sflag:$0x6] =	stream.strided.gather [hbm4b:s25+s26], $0x2000, s28, s26, $0x38;
	[tilespmem:$0x10080] =	vst v63  }
0x23: {  	s5 =	rddreg [dreg:$0x9];
	s13 =	simm.s32 $0x4080  }
0x24: {  	[tilespmem:s13], [sflag:$0x3] =	stream.strided.gather [hbm4b:s5+s26], $0x2000, s28, s26, $0x38;
	[tilespmem:$0x10080] =	vst v63  }
0x25: {  	s14 =	rddreg [dreg:$0xa];
	s15 =	simm.s32 $0xC080  }
0x26: {  	[tilespmem:s15], [sflag:$0x7] =	stream.strided.gather [hbm4b:s14+s26], $0x2000, s28, s26, $0x38;
	[tilespmem:$0x10080] =	vst v63  }
0x27: {  	s24 =	rddreg [dreg:$0xb];
	s25 =	simm.s32 $0x6080  }
0x28: {  	[tilespmem:s25], [sflag:$0x4] =	stream.strided.gather [hbm4b:s24+s26], $0x2000, s28, s26, $0x38;
	[tilespmem:$0x10080] =	vst v63  }
0x29: {  	s30 =	rddreg [dreg:$0xc];
	s13 =	simm.s32 $0x0  }
0x2a: {  	v1 =	vperm.xlane v1, v0;
	[tilespmem:s29], [sflag:$0x8] =	stream.strided.gather [hbm4b:s30+s26], $0x2000, s28, s26, $0x38;
	[tilespmem:$0x10080] =	vst v63  }
.LBB2_2:
0x2b: {  	_ =	swait.ge [sflag:s31], $0x2000  }
0x2c: {  	[sflag:s31] =	ssyncset.done $0x0  }
0x2d: {  	[sflag:s31] =	ssyncadd.s32 $0xFFFFE000  }
0x2e: {  	_ =	swait.ge [sflag:s3], $0x2000  }
0x2f: {  	p1 =	seq.s32 s13, $0x0;
	[sflag:s3] =	ssyncset.done $0x0  }
0x30: {  	s0 =	simm.s32 @!p1 $0x9;
	[sflag:s3] =	ssyncadd.s32 $0xFFFFE000  }
0x31: {  	_ =	swait.ge @!p1 [sflag:s0], $0x2000  }
0x32: {  	[sflag:s0] =	ssyncset.done @!p1 $0x0  }
0x33: {  	s24 =	simm.s32 $0xC0;
	[sflag:s0] =	ssyncadd.s32 @!p1 $0xFFFFE000  }
0x34: {  	v2 =	vld [tilespmem:s24+$0x30]  }
0x35: {  	s25 =	simm.s32 $0x80C0;
	v3 =	vld [tilespmem:s24+$0xFFFFFFD0]  }
0x36: {  	v4 =	vld [tilespmem:s25+$0x30]  }
0x37: {  	v5 =	vld [tilespmem:s24+$0xFFFFFFE0]  }
0x38: {  	v6 =	vld [tilespmem:s24+$0xFFFFFFF0]  }
0x39: {  	v9 =	vld [tilespmem:s24+$0x0]  }
0x3a: {  	v10 =	vld [tilespmem:s24+$0x10]  }
0x3b: {  	v12 =	vld [tilespmem:s24+$0xFFFFFFC0]  }
0x3c: {  	v11 =	vld [tilespmem:s24+$0x20]  }
0x3d: {  	v13 =	vld [tilespmem:s25+$0xFFFFFFC0]  }
0x3e: {  	v14 =	vld [tilespmem:s25+$0xFFFFFFD0];
	v2 =	vperm.xlane v1, v2  }
0x3f: {  	v8 =	vld [tilespmem:s25+$0xFFFFFFE0];
	v15 =	vperm.xlane v1, v3;
	v5 =	vperm.xlane v1, v5  }
0x40: {  	v7 =	vld [tilespmem:s25+$0xFFFFFFF0];
	v3 =	vperm.xlane v1, v9;
	v12 =	vperm.xlane v1, v12  }
0x41: {  	s14 =	sshll.u32 s13, $0xC;
	v9 =	vld [tilespmem:s25+$0x0];
	v16 =	vmul.f32 v4, v2;
	v2 =	vperm.xlane v1, v6  }
0x42: {  	s15 =	sadd.s32 s16, s13;
	s30 =	simm.s32 $0x0;
	s5 =	simm.s32 $0x170;
	v6 =	vperm.xlane v1, v10;
	v4 =	vperm.xlane v1, v11;
	v10 =	vld [tilespmem:s25+$0x10]  }
0x43: {  	s1 =	simm.s32 $0x80C0;
	s0 =	simm.s32 $0x1C0;
	s24 =	simm.s32 $0x8170;
	v13 =	vmul.f32 v13, v12;
	v12 =	vmul.f32 v14, v15;
	v11 =	vld [tilespmem:s25+$0x20];
	[tilespmem:s25+$0x30] =	vst v16  }
.LBB2_3:
0x44: {  	v14 =	vld [tilespmem:s0+$0x30];
	s30 =	sadd.s32 $0x8, s30;
	v5 =	vmul.f32 v8, v5  }
0x45: {  	s1 =	sadd.s32 $0x100, s1;
	v8 =	vld [tilespmem:s0+$0xFFFFFFD0];
	p0 =	slt.u32 s30, $0xF8;
	[tilespmem:s25+$0xFFFFFFC0] =	vst v13;
	v2 =	vmul.f32 v7, v2  }
0x46: {  	v7 =	vld [tilespmem:s1+$0x30];
	[tilespmem:s25+$0xFFFFFFD0] =	vst v12;
	v3 =	vmul.f32 v9, v3  }
0x47: {  	v9 =	vld [tilespmem:s0+$0xFFFFFFE0];
	[tilespmem:s25+$0xFFFFFFE0] =	vst v5;
	v5 =	vmul.f32 v10, v6  }
0x48: {  	v6 =	vld [tilespmem:s0+$0xFFFFFFF0];
	[tilespmem:s25+$0xFFFFFFF0] =	vst v2;
	v2 =	vmul.f32 v11, v4  }
0x49: {  	v4 =	vld [tilespmem:s0+$0x0];
	v10 =	vperm.xlane v1, v14;
	[tilespmem:s25+$0x0] =	vst v3  }
0x4a: {  	v11 =	vperm.xlane v1, v8;
	v12 =	vld [tilespmem:s0+$0x10];
	[tilespmem:s25+$0x10] =	vst v5  }
0x4b: {  	v13 =	vld [tilespmem:s0+$0x20];
	v3 =	vmul.f32 v7, v10;
	[tilespmem:s25+$0x20] =	vst v2;
	s25 =	smov.u32 s1  }
0x4c: {  	v10 =	vld [tilespmem:s0+$0xFFFFFFC0];
	v5 =	vperm.xlane v1, v9  }
0x4d: {  	v14 =	vld [tilespmem:s1+$0xFFFFFFC0];
	v2 =	vperm.xlane v1, v6;
	[tilespmem:s1+$0x30] =	vst v3  }
0x4e: {  	v15 =	vld [tilespmem:s1+$0xFFFFFFD0];
	v3 =	vperm.xlane v1, v4  }
.Ltmp0:
0x4f: {  	v8 =	vld [tilespmem:s1+$0xFFFFFFE0];
	v6 =	vperm.xlane v1, v12;
	(pc) =	sbr.rel @p0 .LBB2_3-.Ltmp0, $4  }
0x50: {  	v7 =	vld [tilespmem:s1+$0xFFFFFFF0];
	v4 =	vperm.xlane v1, v13  }
0x51: {  	v12 =	vperm.xlane v1, v10;
	v9 =	vld [tilespmem:s1+$0x0]  }
0x52: {  	v10 =	vld [tilespmem:s1+$0x10]  }
0x53: {  	s0 =	sadd.s32 $0x100, s0;
	v13 =	vmul.f32 v14, v12;
	v12 =	vmul.f32 v15, v11;
	v11 =	vld [tilespmem:s1+$0x20]  }
0x54: {  	_ = 	snop  }
0x55: {  	v5 =	vmul.f32 v8, v5;
	[tilespmem:s25+$0xFFFFFFC0] =	vst v13  }
0x56: {  	v2 =	vmul.f32 v7, v2;
	[tilespmem:s25+$0xFFFFFFD0] =	vst v12  }
0x57: {  	v3 =	vmul.f32 v9, v3;
	[tilespmem:s25+$0xFFFFFFE0] =	vst v5  }
0x58: {  	v5 =	vmul.f32 v10, v6;
	[tilespmem:s25+$0xFFFFFFF0] =	vst v2  }
0x59: {  	v2 =	vmul.f32 v11, v4;
	[tilespmem:s25+$0x0] =	vst v3  }
0x5a: {  	[tilespmem:s25+$0x10] =	vst v5  }
0x5b: {  	[tilespmem:s25+$0x20] =	vst v2  }
0x5c: {  	v2 =	vld [tilespmem:s5+$0x0]  }
0x5d: {  	v3 =	vld [tilespmem:s5+$0xFFFFFFA0]  }
0x5e: {  	v4 =	vld [tilespmem:s24+$0x0]  }
0x5f: {  	v5 =	vld [tilespmem:s5+$0xFFFFFFB0]  }
0x60: {  	v7 =	vld [tilespmem:s5+$0xFFFFFFC0]  }
0x61: {  	v9 =	vld [tilespmem:s5+$0xFFFFFFD0]  }
0x62: {  	v11 =	vld [tilespmem:s5+$0xFFFFFFE0]  }
0x63: {  	v12 =	vld [tilespmem:s5+$0xFFFFFFF0]  }
0x64: {  	v13 =	vld [tilespmem:s5+$0xFFFFFF90]  }
0x65: {  	v14 =	vld [tilespmem:s24+$0xFFFFFF90]  }
0x66: {  	v15 =	vld [tilespmem:s24+$0xFFFFFFA0];
	v2 =	vperm.xlane v1, v2  }
0x67: {  	v10 =	vld [tilespmem:s24+$0xFFFFFFB0];
	v16 =	vperm.xlane v1, v3;
	v6 =	vperm.xlane v1, v5  }
0x68: {  	v8 =	vld [tilespmem:s24+$0xFFFFFFC0];
	v5 =	vperm.xlane v1, v7;
	v3 =	vperm.xlane v1, v9  }
0x69: {  	v13 =	vperm.xlane v1, v13;
	v9 =	vld [tilespmem:s24+$0xFFFFFFD0];
	v17 =	vmul.f32 v4, v2  }
0x6a: {  	v7 =	vld [tilespmem:s24+$0xFFFFFFE0];
	v4 =	vperm.xlane v1, v11;
	v2 =	vperm.xlane v1, v12  }
0x6b: {  	s0 =	simm.s32 $0x270;
	s1 =	simm.s32 $0x8170;
	s5 =	simm.s32 $0x0;
	v13 =	vmul.f32 v14, v13;
	v12 =	vmul.f32 v15, v16;
	v11 =	vld [tilespmem:s24+$0xFFFFFFF0];
	[tilespmem:s24+$0x0] =	vst v17  }
.LBB2_5:
0x6c: {  	v14 =	vld [tilespmem:s0+$0x0];
	s5 =	sadd.s32 $0x8, s5;
	v6 =	vmul.f32 v10, v6  }
0x6d: {  	s1 =	sadd.s32 $0x100, s1;
	v10 =	vld [tilespmem:s0+$0xFFFFFFA0];
	p0 =	slt.u32 s5, $0xF8;
	[tilespmem:s24+$0xFFFFFF90] =	vst v13;
	v5 =	vmul.f32 v8, v5  }
0x6e: {  	v8 =	vld [tilespmem:s1+$0x0];
	[tilespmem:s24+$0xFFFFFFA0] =	vst v12;
	v3 =	vmul.f32 v9, v3  }
0x6f: {  	v9 =	vld [tilespmem:s0+$0xFFFFFFB0];
	[tilespmem:s24+$0xFFFFFFB0] =	vst v6;
	v4 =	vmul.f32 v7, v4  }
0x70: {  	v7 =	vld [tilespmem:s0+$0xFFFFFFC0];
	[tilespmem:s24+$0xFFFFFFC0] =	vst v5;
	v2 =	vmul.f32 v11, v2  }
0x71: {  	v11 =	vld [tilespmem:s0+$0xFFFFFFD0];
	v5 =	vperm.xlane v1, v14;
	[tilespmem:s24+$0xFFFFFFD0] =	vst v3  }
0x72: {  	v12 =	vperm.xlane v1, v10;
	v13 =	vld [tilespmem:s0+$0xFFFFFFE0];
	[tilespmem:s24+$0xFFFFFFE0] =	vst v4  }
0x73: {  	v14 =	vld [tilespmem:s0+$0xFFFFFFF0];
	v3 =	vmul.f32 v8, v5;
	[tilespmem:s24+$0xFFFFFFF0] =	vst v2;
	s24 =	smov.u32 s1  }
0x74: {  	v15 =	vld [tilespmem:s0+$0xFFFFFF90];
	v6 =	vperm.xlane v1, v9  }
0x75: {  	v16 =	vld [tilespmem:s1+$0xFFFFFF90];
	v5 =	vperm.xlane v1, v7;
	[tilespmem:s1+$0x0] =	vst v3  }
0x76: {  	v17 =	vld [tilespmem:s1+$0xFFFFFFA0];
	v3 =	vperm.xlane v1, v11  }
.Ltmp1:
0x77: {  	v10 =	vld [tilespmem:s1+$0xFFFFFFB0];
	v4 =	vperm.xlane v1, v13;
	(pc) =	sbr.rel @p0 .LBB2_5-.Ltmp1, $4  }
0x78: {  	v8 =	vld [tilespmem:s1+$0xFFFFFFC0];
	v2 =	vperm.xlane v1, v14  }
0x79: {  	v11 =	vperm.xlane v1, v15;
	v9 =	vld [tilespmem:s1+$0xFFFFFFD0]  }
0x7a: {  	v7 =	vld [tilespmem:s1+$0xFFFFFFE0]  }
0x7b: {  	s0 =	sadd.s32 $0x100, s0;
	v13 =	vmul.f32 v16, v11;
	v12 =	vmul.f32 v17, v12;
	v11 =	vld [tilespmem:s1+$0xFFFFFFF0]  }
0x7c: {  	_ = 	snop  }
0x7d: {  	v6 =	vmul.f32 v10, v6;
	[tilespmem:s24+$0xFFFFFF90] =	vst v13  }
0x7e: {  	v5 =	vmul.f32 v8, v5;
	[tilespmem:s24+$0xFFFFFFA0] =	vst v12  }
0x7f: {  	v3 =	vmul.f32 v9, v3;
	[tilespmem:s24+$0xFFFFFFB0] =	vst v6  }
0x80: {  	v4 =	vmul.f32 v7, v4;
	[tilespmem:s24+$0xFFFFFFC0] =	vst v5  }
0x81: {  	p0 =	seq.s32 s13, $0xF;
	v2 =	vmul.f32 v11, v2;
	[tilespmem:s24+$0xFFFFFFD0] =	vst v3  }
0x82: {  	s0 =	sadd.s32 @!p0 s14, s17;
	s5 =	simm.s32 @!p0 $0x100;
	[tilespmem:s24+$0xFFFFFFE0] =	vst v4  }
0x83: {  	s25 =	simm.s32 @!p0 $0x80;
	s1 =	sadd.s32 @!p0 s2, s0;
	[tilespmem:s24+$0xFFFFFFF0] =	vst v2;
	s24 =	simm.s32 @!p0 $0x400  }
0x84: {  	[tilespmem:s25], [sflag:$0x1] =	stream.strided.gather @!p0 [hbm4b:s1+s5], $0x2000, s24, s5, $0x38;
	[tilespmem:$0x10080] =	vst v63  }
0x85: {  	s0 =	sadd.s32 @!p0 s4, s0;
	s1 =	simm.s32 @!p0 $0x8080  }
0x86: {  	[tilespmem:s1], [sflag:$0x5] =	stream.strided.gather @!p0 [hbm4b:s0+s5], $0x2000, s24, s5, $0x38;
	[tilespmem:$0x10080] =	vst v63  }
0x87: {  	s1 =	sshll.u32 s15, $0xC;
	s5 =	rddreg [dreg:$0x3]  }
0x88: {  	s15 =	simm.s32 $0x8080;
	s0 =	sadd.s32 s5, s1  }
0x89: {  	[hbm4b:s0+s26] =	stream.strided.scatter [tilespmem:s15], [sflag:$0x9], $0x2000, s28, s26, $0x38;
	[tilespmem:$0x10080] =	vst v63  }
0x8a: {  	_ =	swait.ge [sflag:s6], $0x2000  }
0x8b: {  	[sflag:s6] =	ssyncset.done $0x0  }
0x8c: {  	[sflag:s6] =	ssyncadd.s32 $0xFFFFE000  }
0x8d: {  	_ =	swait.ge [sflag:s8], $0x2000  }
0x8e: {  	[sflag:s8] =	ssyncset.done $0x0  }
0x8f: {  	s0 =	simm.s32 @!p1 $0xA;
	[sflag:s8] =	ssyncadd.s32 $0xFFFFE000  }
0x90: {  	_ =	swait.ge @!p1 [sflag:s0], $0x2000  }
0x91: {  	[sflag:s0] =	ssyncset.done @!p1 $0x0  }
0x92: {  	s24 =	simm.s32 $0x20F0;
	[sflag:s0] =	ssyncadd.s32 @!p1 $0xFFFFE000  }
0x93: {  	v2 =	vld [tilespmem:s24+$0x0]  }
0x94: {  	s25 =	simm.s32 $0xA0F0;
	v3 =	vld [tilespmem:s24+$0xFFFFFFA0]  }
0x95: {  	v4 =	vld [tilespmem:s25+$0x0]  }
0x96: {  	v5 =	vld [tilespmem:s24+$0xFFFFFFB0]  }
0x97: {  	v7 =	vld [tilespmem:s24+$0xFFFFFFC0]  }
0x98: {  	v8 =	vld [tilespmem:s24+$0xFFFFFFD0]  }
0x99: {  	v10 =	vld [tilespmem:s24+$0xFFFFFFE0]  }
0x9a: {  	v12 =	vld [tilespmem:s24+$0xFFFFFF90]  }
0x9b: {  	v11 =	vld [tilespmem:s24+$0xFFFFFFF0]  }
0x9c: {  	v13 =	vld [tilespmem:s25+$0xFFFFFF90]  }
0x9d: {  	v14 =	vld [tilespmem:s25+$0xFFFFFFA0];
	v2 =	vperm.xlane v1, v2  }
0x9e: {  	v9 =	vld [tilespmem:s25+$0xFFFFFFB0];
	v15 =	vperm.xlane v1, v3;
	v6 =	vperm.xlane v1, v5  }
0x9f: {  	v3 =	vperm.xlane v1, v7;
	v7 =	vld [tilespmem:s25+$0xFFFFFFC0];
	v12 =	vperm.xlane v1, v12  }
0xa0: {  	v16 =	vmul.f32 v4, v2;
	v2 =	vperm.xlane v1, v8;
	v8 =	vld [tilespmem:s25+$0xFFFFFFD0]  }
0xa1: {  	s30 =	simm.s32 $0x0;
	s5 =	simm.s32 $0x2170;
	s1 =	simm.s32 $0xA0F0;
	v5 =	vperm.xlane v1, v10;
	v10 =	vld [tilespmem:s25+$0xFFFFFFE0];
	v4 =	vperm.xlane v1, v11  }
0xa2: {  	s15 =	sor.u32 s7, s14;
	s0 =	simm.s32 $0x21F0;
	s24 =	simm.s32 $0xA170;
	v13 =	vmul.f32 v13, v12;
	v12 =	vmul.f32 v14, v15;
	v11 =	vld [tilespmem:s25+$0xFFFFFFF0];
	[tilespmem:s25+$0x0] =	vst v16  }
.LBB2_7:
0xa3: {  	v14 =	vld [tilespmem:s0+$0x0];
	s30 =	sadd.s32 $0x8, s30;
	v6 =	vmul.f32 v9, v6  }
0xa4: {  	s1 =	sadd.s32 $0x100, s1;
	v9 =	vld [tilespmem:s0+$0xFFFFFFA0];
	p2 =	slt.u32 s30, $0xF8;
	[tilespmem:s25+$0xFFFFFF90] =	vst v13;
	v3 =	vmul.f32 v7, v3  }
0xa5: {  	v7 =	vld [tilespmem:s1+$0x0];
	[tilespmem:s25+$0xFFFFFFA0] =	vst v12;
	v2 =	vmul.f32 v8, v2  }
0xa6: {  	v8 =	vld [tilespmem:s0+$0xFFFFFFB0];
	[tilespmem:s25+$0xFFFFFFB0] =	vst v6;
	v5 =	vmul.f32 v10, v5  }
0xa7: {  	v10 =	vld [tilespmem:s0+$0xFFFFFFC0];
	[tilespmem:s25+$0xFFFFFFC0] =	vst v3;
	v3 =	vmul.f32 v11, v4  }
0xa8: {  	v4 =	vld [tilespmem:s0+$0xFFFFFFD0];
	v6 =	vperm.xlane v1, v14;
	[tilespmem:s25+$0xFFFFFFD0] =	vst v2  }
0xa9: {  	v11 =	vperm.xlane v1, v9;
	v12 =	vld [tilespmem:s0+$0xFFFFFFE0];
	[tilespmem:s25+$0xFFFFFFE0] =	vst v5  }
0xaa: {  	v13 =	vld [tilespmem:s0+$0xFFFFFFF0];
	v2 =	vmul.f32 v7, v6;
	[tilespmem:s25+$0xFFFFFFF0] =	vst v3;
	s25 =	smov.u32 s1  }
0xab: {  	v14 =	vld [tilespmem:s0+$0xFFFFFF90];
	v6 =	vperm.xlane v1, v8  }
0xac: {  	v15 =	vld [tilespmem:s1+$0xFFFFFF90];
	v3 =	vperm.xlane v1, v10;
	[tilespmem:s1+$0x0] =	vst v2  }
0xad: {  	v16 =	vld [tilespmem:s1+$0xFFFFFFA0];
	v2 =	vperm.xlane v1, v4  }
.Ltmp2:
0xae: {  	v9 =	vld [tilespmem:s1+$0xFFFFFFB0];
	v5 =	vperm.xlane v1, v12;
	(pc) =	sbr.rel @p2 .LBB2_7-.Ltmp2, $4  }
0xaf: {  	v7 =	vld [tilespmem:s1+$0xFFFFFFC0];
	v4 =	vperm.xlane v1, v13  }
0xb0: {  	v12 =	vperm.xlane v1, v14;
	v8 =	vld [tilespmem:s1+$0xFFFFFFD0]  }
0xb1: {  	v10 =	vld [tilespmem:s1+$0xFFFFFFE0]  }
0xb2: {  	s0 =	sadd.s32 $0x100, s0;
	v13 =	vmul.f32 v15, v12;
	v12 =	vmul.f32 v16, v11;
	v11 =	vld [tilespmem:s1+$0xFFFFFFF0]  }
0xb3: {  	_ = 	snop  }
0xb4: {  	v6 =	vmul.f32 v9, v6;
	[tilespmem:s25+$0xFFFFFF90] =	vst v13  }
0xb5: {  	v3 =	vmul.f32 v7, v3;
	[tilespmem:s25+$0xFFFFFFA0] =	vst v12  }
0xb6: {  	v2 =	vmul.f32 v8, v2;
	[tilespmem:s25+$0xFFFFFFB0] =	vst v6  }
0xb7: {  	v5 =	vmul.f32 v10, v5;
	[tilespmem:s25+$0xFFFFFFC0] =	vst v3  }
0xb8: {  	v3 =	vmul.f32 v11, v4;
	[tilespmem:s25+$0xFFFFFFD0] =	vst v2  }
0xb9: {  	[tilespmem:s25+$0xFFFFFFE0] =	vst v5  }
0xba: {  	[tilespmem:s25+$0xFFFFFFF0] =	vst v3  }
0xbb: {  	v2 =	vld [tilespmem:s5+$0x0]  }
0xbc: {  	v3 =	vld [tilespmem:s5+$0xFFFFFFA0]  }
0xbd: {  	v4 =	vld [tilespmem:s24+$0x0]  }
0xbe: {  	v5 =	vld [tilespmem:s5+$0xFFFFFFB0]  }
0xbf: {  	v7 =	vld [tilespmem:s5+$0xFFFFFFC0]  }
0xc0: {  	v9 =	vld [tilespmem:s5+$0xFFFFFFD0]  }
0xc1: {  	v11 =	vld [tilespmem:s5+$0xFFFFFFE0]  }
0xc2: {  	v12 =	vld [tilespmem:s5+$0xFFFFFFF0]  }
0xc3: {  	v13 =	vld [tilespmem:s5+$0xFFFFFF90]  }
0xc4: {  	v14 =	vld [tilespmem:s24+$0xFFFFFF90]  }
0xc5: {  	v15 =	vld [tilespmem:s24+$0xFFFFFFA0];
	v2 =	vperm.xlane v1, v2  }
0xc6: {  	v10 =	vld [tilespmem:s24+$0xFFFFFFB0];
	v16 =	vperm.xlane v1, v3;
	v6 =	vperm.xlane v1, v5  }
0xc7: {  	v8 =	vld [tilespmem:s24+$0xFFFFFFC0];
	v5 =	vperm.xlane v1, v7;
	v3 =	vperm.xlane v1, v9  }
0xc8: {  	v13 =	vperm.xlane v1, v13;
	v9 =	vld [tilespmem:s24+$0xFFFFFFD0];
	v17 =	vmul.f32 v4, v2  }
0xc9: {  	v7 =	vld [tilespmem:s24+$0xFFFFFFE0];
	v4 =	vperm.xlane v1, v11;
	v2 =	vperm.xlane v1, v12  }
0xca: {  	s0 =	simm.s32 $0x2270;
	s1 =	simm.s32 $0xA170;
	s5 =	simm.s32 $0x0;
	v13 =	vmul.f32 v14, v13;
	v12 =	vmul.f32 v15, v16;
	v11 =	vld [tilespmem:s24+$0xFFFFFFF0];
	[tilespmem:s24+$0x0] =	vst v17  }
.LBB2_9:
0xcb: {  	v14 =	vld [tilespmem:s0+$0x0];
	s5 =	sadd.s32 $0x8, s5;
	v6 =	vmul.f32 v10, v6  }
0xcc: {  	s1 =	sadd.s32 $0x100, s1;
	v10 =	vld [tilespmem:s0+$0xFFFFFFA0];
	p2 =	slt.u32 s5, $0xF8;
	[tilespmem:s24+$0xFFFFFF90] =	vst v13;
	v5 =	vmul.f32 v8, v5  }
0xcd: {  	v8 =	vld [tilespmem:s1+$0x0];
	[tilespmem:s24+$0xFFFFFFA0] =	vst v12;
	v3 =	vmul.f32 v9, v3  }
0xce: {  	v9 =	vld [tilespmem:s0+$0xFFFFFFB0];
	[tilespmem:s24+$0xFFFFFFB0] =	vst v6;
	v4 =	vmul.f32 v7, v4  }
0xcf: {  	v7 =	vld [tilespmem:s0+$0xFFFFFFC0];
	[tilespmem:s24+$0xFFFFFFC0] =	vst v5;
	v2 =	vmul.f32 v11, v2  }
0xd0: {  	v11 =	vld [tilespmem:s0+$0xFFFFFFD0];
	v5 =	vperm.xlane v1, v14;
	[tilespmem:s24+$0xFFFFFFD0] =	vst v3  }
0xd1: {  	v12 =	vperm.xlane v1, v10;
	v13 =	vld [tilespmem:s0+$0xFFFFFFE0];
	[tilespmem:s24+$0xFFFFFFE0] =	vst v4  }
0xd2: {  	v14 =	vld [tilespmem:s0+$0xFFFFFFF0];
	v3 =	vmul.f32 v8, v5;
	[tilespmem:s24+$0xFFFFFFF0] =	vst v2;
	s24 =	smov.u32 s1  }
0xd3: {  	v15 =	vld [tilespmem:s0+$0xFFFFFF90];
	v6 =	vperm.xlane v1, v9  }
0xd4: {  	v16 =	vld [tilespmem:s1+$0xFFFFFF90];
	v5 =	vperm.xlane v1, v7;
	[tilespmem:s1+$0x0] =	vst v3  }
0xd5: {  	v17 =	vld [tilespmem:s1+$0xFFFFFFA0];
	v3 =	vperm.xlane v1, v11  }
.Ltmp3:
0xd6: {  	v10 =	vld [tilespmem:s1+$0xFFFFFFB0];
	v4 =	vperm.xlane v1, v13;
	(pc) =	sbr.rel @p2 .LBB2_9-.Ltmp3, $4  }
0xd7: {  	v8 =	vld [tilespmem:s1+$0xFFFFFFC0];
	v2 =	vperm.xlane v1, v14  }
0xd8: {  	v11 =	vperm.xlane v1, v15;
	v9 =	vld [tilespmem:s1+$0xFFFFFFD0]  }
0xd9: {  	v7 =	vld [tilespmem:s1+$0xFFFFFFE0]  }
0xda: {  	s0 =	sadd.s32 $0x100, s0;
	v13 =	vmul.f32 v16, v11;
	v12 =	vmul.f32 v17, v12;
	v11 =	vld [tilespmem:s1+$0xFFFFFFF0]  }
0xdb: {  	_ = 	snop  }
0xdc: {  	v6 =	vmul.f32 v10, v6;
	[tilespmem:s24+$0xFFFFFF90] =	vst v13  }
0xdd: {  	v5 =	vmul.f32 v8, v5;
	[tilespmem:s24+$0xFFFFFFA0] =	vst v12  }
0xde: {  	v3 =	vmul.f32 v9, v3;
	[tilespmem:s24+$0xFFFFFFB0] =	vst v6  }
0xdf: {  	v4 =	vmul.f32 v7, v4;
	[tilespmem:s24+$0xFFFFFFC0] =	vst v5  }
0xe0: {  	v2 =	vmul.f32 v11, v2;
	[tilespmem:s24+$0xFFFFFFD0] =	vst v3  }
0xe1: {  	s0 =	sadd.s32 @!p0 s14, s18;
	s5 =	simm.s32 @!p0 $0x100;
	[tilespmem:s24+$0xFFFFFFE0] =	vst v4  }
0xe2: {  	s25 =	simm.s32 @!p0 $0x2080;
	s1 =	sadd.s32 @!p0 s2, s0;
	[tilespmem:s24+$0xFFFFFFF0] =	vst v2;
	s24 =	simm.s32 @!p0 $0x400  }
0xe3: {  	[tilespmem:s25], [sflag:$0x2] =	stream.strided.gather @!p0 [hbm4b:s1+s5], $0x2000, s24, s5, $0x38;
	[tilespmem:$0x10080] =	vst v63  }
0xe4: {  	s0 =	sadd.s32 @!p0 s4, s0;
	s1 =	simm.s32 @!p0 $0xA080  }
0xe5: {  	[tilespmem:s1], [sflag:$0x6] =	stream.strided.gather @!p0 [hbm4b:s0+s5], $0x2000, s24, s5, $0x38;
	[tilespmem:$0x10080] =	vst v63  }
0xe6: {  	s30 =	simm.s32 $0xA080;
	s25 =	sadd.s32 s15, s19  }
0xe7: {  	[hbm4b:s25+s26] =	stream.strided.scatter [tilespmem:s30], [sflag:$0xA], $0x2000, s28, s26, $0x38;
	[tilespmem:$0x10080] =	vst v63  }
0xe8: {  	_ =	swait.ge [sflag:s9], $0x2000  }
0xe9: {  	[sflag:s9] =	ssyncset.done $0x0  }
0xea: {  	[sflag:s9] =	ssyncadd.s32 $0xFFFFE000  }
0xeb: {  	_ =	swait.ge [sflag:s10], $0x2000  }
0xec: {  	[sflag:s10] =	ssyncset.done $0x0  }
0xed: {  	s0 =	simm.s32 @!p1 $0xB;
	[sflag:s10] =	ssyncadd.s32 $0xFFFFE000  }
0xee: {  	_ =	swait.ge @!p1 [sflag:s0], $0x2000  }
0xef: {  	[sflag:s0] =	ssyncset.done @!p1 $0x0  }
0xf0: {  	s24 =	simm.s32 $0x0;
	[sflag:s0] =	ssyncadd.s32 @!p1 $0xFFFFE000  }
0xf1: {  	v2 =	vld [tilespmem:s24+$0x40F0]  }
0xf2: {  	v3 =	vld [tilespmem:s24+$0x4080]  }
0xf3: {  	v4 =	vld [tilespmem:s24+$0xC0F0]  }
0xf4: {  	v5 =	vld [tilespmem:s24+$0x4090]  }
0xf5: {  	v6 =	vld [tilespmem:s24+$0x40A0]  }
0xf6: {  	v9 =	vld [tilespmem:s24+$0x40B0]  }
0xf7: {  	v10 =	vld [tilespmem:s24+$0x40C0]  }
0xf8: {  	v12 =	vld [tilespmem:s24+$0x40D0]  }
0xf9: {  	v13 =	vld [tilespmem:s24+$0x40E0]  }
0xfa: {  	v14 =	vld [tilespmem:s24+$0xC080]  }
0xfb: {  	v11 =	vld [tilespmem:s24+$0xC090];
	v2 =	vperm.xlane v1, v2;
	v15 =	vperm.xlane v1, v3  }
0xfc: {  	v8 =	vld [tilespmem:s24+$0xC0A0];
	v7 =	vperm.xlane v1, v5;
	v6 =	vperm.xlane v1, v6  }
0xfd: {  	v5 =	vperm.xlane v1, v9;
	v9 =	vld [tilespmem:s24+$0xC0B0];
	v3 =	vmul.f32 v4, v2  }
0xfe: {  	v4 =	vperm.xlane v1, v10;
	v2 =	vperm.xlane v1, v12;
	v10 =	vld [tilespmem:s24+$0xC0C0]  }
0xff: {  	s5 =	simm.s32 $0x0;
	s25 =	simm.s32 $0x0;
	s0 =	simm.s32 $0x400;
	v12 =	vld [tilespmem:s24+$0xC0D0];
	[tilespmem:s24+$0xC0F0] =	vst v3;
	v3 =	vperm.xlane v1, v13;
	v13 =	vmul.f32 v14, v15  }
.LBB2_11:
0x100: {  	s1 =	sshra.s32 s0, $0x2;
	s25 =	sadd.s32 $0x8, s25;
	v7 =	vmul.f32 v11, v7;
	v11 =	vld [tilespmem:s5+$0xC0E0]  }
0x101: {  	v14 =	vld [tilespmem:s1+$0x40F0];
	p2 =	slt.u32 s25, $0xF8;
	[tilespmem:s5+$0xC080] =	vst v13;
	v6 =	vmul.f32 v8, v6  }
0x102: {  	v8 =	vld [tilespmem:s1+$0x4080];
	[tilespmem:s5+$0xC090] =	vst v7;
	v5 =	vmul.f32 v9, v5  }
0x103: {  	v7 =	vld [tilespmem:s1+$0xC0F0];
	[tilespmem:s5+$0xC0A0] =	vst v6;
	v4 =	vmul.f32 v10, v4  }
0x104: {  	v6 =	vld [tilespmem:s1+$0x4090];
	[tilespmem:s5+$0xC0B0] =	vst v5;
	v2 =	vmul.f32 v12, v2  }
0x105: {  	v5 =	vld [tilespmem:s1+$0x40A0];
	[tilespmem:s5+$0xC0C0] =	vst v4;
	v3 =	vmul.f32 v11, v3  }
0x106: {  	v4 =	vld [tilespmem:s1+$0x40B0];
	v9 =	vperm.xlane v1, v14;
	[tilespmem:s5+$0xC0D0] =	vst v2  }
0x107: {  	v12 =	vperm.xlane v1, v8;
	v2 =	vld [tilespmem:s1+$0x40C0];
	[tilespmem:s5+$0xC0E0] =	vst v3;
	s5 =	smov.u32 s1  }
0x108: {  	v3 =	vld [tilespmem:s5+$0x40D0];
	v8 =	vmul.f32 v7, v9  }
0x109: {  	v7 =	vperm.xlane v1, v6;
	v13 =	vld [tilespmem:s5+$0x40E0]  }
0x10a: {  	v14 =	vld [tilespmem:s5+$0xC080];
	v6 =	vperm.xlane v1, v5;
	[tilespmem:s5+$0xC0F0] =	vst v8  }
.Ltmp4:
0x10b: {  	v11 =	vld [tilespmem:s5+$0xC090];
	v5 =	vperm.xlane v1, v4;
	(pc) =	sbr.rel @p2 .LBB2_11-.Ltmp4, $4  }
0x10c: {  	v8 =	vld [tilespmem:s5+$0xC0A0];
	v4 =	vperm.xlane v1, v2  }
0x10d: {  	v9 =	vld [tilespmem:s5+$0xC0B0];
	v2 =	vperm.xlane v1, v3  }
0x10e: {  	v10 =	vld [tilespmem:s5+$0xC0C0];
	v3 =	vperm.xlane v1, v13  }
0x10f: {  	s0 =	sadd.s32 $0x400, s0;
	v13 =	vmul.f32 v14, v12;
	v12 =	vld [tilespmem:s5+$0xC0D0]  }
0x110: {  	v7 =	vmul.f32 v11, v7;
	v11 =	vld [tilespmem:s5+$0xC0E0]  }
0x111: {  	[tilespmem:s5+$0xC080] =	vst v13;
	v6 =	vmul.f32 v8, v6  }
0x112: {  	[tilespmem:s5+$0xC090] =	vst v7;
	v5 =	vmul.f32 v9, v5  }
0x113: {  	[tilespmem:s5+$0xC0A0] =	vst v6;
	v4 =	vmul.f32 v10, v4  }
0x114: {  	[tilespmem:s5+$0xC0B0] =	vst v5;
	v2 =	vmul.f32 v12, v2  }
0x115: {  	[tilespmem:s5+$0xC0C0] =	vst v4;
	v3 =	vmul.f32 v11, v3  }
0x116: {  	[tilespmem:s5+$0xC0D0] =	vst v2  }
0x117: {  	[tilespmem:s5+$0xC0E0] =	vst v3  }
0x118: {  	v2 =	vld [tilespmem:s24+$0x4170]  }
0x119: {  	v3 =	vld [tilespmem:s24+$0x4100]  }
0x11a: {  	v4 =	vld [tilespmem:s24+$0xC170]  }
0x11b: {  	v5 =	vld [tilespmem:s24+$0x4110]  }
0x11c: {  	v6 =	vld [tilespmem:s24+$0x4120]  }
0x11d: {  	v9 =	vld [tilespmem:s24+$0x4130]  }
0x11e: {  	v10 =	vld [tilespmem:s24+$0x4140]  }
0x11f: {  	v12 =	vld [tilespmem:s24+$0x4150]  }
0x120: {  	v13 =	vld [tilespmem:s24+$0x4160]  }
0x121: {  	v14 =	vld [tilespmem:s24+$0xC100]  }
0x122: {  	v11 =	vld [tilespmem:s24+$0xC110];
	v2 =	vperm.xlane v1, v2;
	v15 =	vperm.xlane v1, v3  }
0x123: {  	v8 =	vld [tilespmem:s24+$0xC120];
	v7 =	vperm.xlane v1, v5;
	v6 =	vperm.xlane v1, v6  }
0x124: {  	v5 =	vperm.xlane v1, v9;
	v9 =	vld [tilespmem:s24+$0xC130];
	v3 =	vmul.f32 v4, v2  }
0x125: {  	v4 =	vperm.xlane v1, v10;
	v2 =	vperm.xlane v1, v12;
	v10 =	vld [tilespmem:s24+$0xC140]  }
0x126: {  	s0 =	simm.s32 $0x400;
	s5 =	simm.s32 $0x0;
	v12 =	vld [tilespmem:s24+$0xC150];
	[tilespmem:s24+$0xC170] =	vst v3;
	v3 =	vperm.xlane v1, v13;
	v13 =	vmul.f32 v14, v15  }
.LBB2_13:
0x127: {  	s1 =	sshra.s32 s0, $0x2;
	s5 =	sadd.s32 $0x8, s5;
	v7 =	vmul.f32 v11, v7;
	v11 =	vld [tilespmem:s24+$0xC160]  }
0x128: {  	v14 =	vld [tilespmem:s1+$0x4170];
	p2 =	slt.u32 s5, $0xF8;
	[tilespmem:s24+$0xC100] =	vst v13;
	v6 =	vmul.f32 v8, v6  }
0x129: {  	v8 =	vld [tilespmem:s1+$0x4100];
	[tilespmem:s24+$0xC110] =	vst v7;
	v5 =	vmul.f32 v9, v5  }
0x12a: {  	v7 =	vld [tilespmem:s1+$0xC170];
	[tilespmem:s24+$0xC120] =	vst v6;
	v4 =	vmul.f32 v10, v4  }
0x12b: {  	v6 =	vld [tilespmem:s1+$0x4110];
	[tilespmem:s24+$0xC130] =	vst v5;
	v2 =	vmul.f32 v12, v2  }
0x12c: {  	v5 =	vld [tilespmem:s1+$0x4120];
	[tilespmem:s24+$0xC140] =	vst v4;
	v3 =	vmul.f32 v11, v3  }
0x12d: {  	v4 =	vld [tilespmem:s1+$0x4130];
	v9 =	vperm.xlane v1, v14;
	[tilespmem:s24+$0xC150] =	vst v2  }
0x12e: {  	v12 =	vperm.xlane v1, v8;
	v2 =	vld [tilespmem:s1+$0x4140];
	[tilespmem:s24+$0xC160] =	vst v3;
	s24 =	smov.u32 s1  }
0x12f: {  	v3 =	vld [tilespmem:s24+$0x4150];
	v8 =	vmul.f32 v7, v9  }
0x130: {  	v7 =	vperm.xlane v1, v6;
	v13 =	vld [tilespmem:s24+$0x4160]  }
0x131: {  	v14 =	vld [tilespmem:s24+$0xC100];
	v6 =	vperm.xlane v1, v5;
	[tilespmem:s24+$0xC170] =	vst v8  }
.Ltmp5:
0x132: {  	v11 =	vld [tilespmem:s24+$0xC110];
	v5 =	vperm.xlane v1, v4;
	(pc) =	sbr.rel @p2 .LBB2_13-.Ltmp5, $4  }
0x133: {  	v8 =	vld [tilespmem:s24+$0xC120];
	v4 =	vperm.xlane v1, v2  }
0x134: {  	v9 =	vld [tilespmem:s24+$0xC130];
	v2 =	vperm.xlane v1, v3  }
0x135: {  	v10 =	vld [tilespmem:s24+$0xC140];
	v3 =	vperm.xlane v1, v13  }
0x136: {  	s0 =	sadd.s32 $0x400, s0;
	v13 =	vmul.f32 v14, v12;
	v12 =	vld [tilespmem:s24+$0xC150]  }
0x137: {  	v7 =	vmul.f32 v11, v7;
	v11 =	vld [tilespmem:s24+$0xC160]  }
0x138: {  	[tilespmem:s24+$0xC100] =	vst v13;
	v6 =	vmul.f32 v8, v6  }
0x139: {  	[tilespmem:s24+$0xC110] =	vst v7;
	v5 =	vmul.f32 v9, v5  }
0x13a: {  	[tilespmem:s24+$0xC120] =	vst v6;
	v4 =	vmul.f32 v10, v4  }
0x13b: {  	[tilespmem:s24+$0xC130] =	vst v5;
	v2 =	vmul.f32 v12, v2  }
0x13c: {  	[tilespmem:s24+$0xC140] =	vst v4;
	v3 =	vmul.f32 v11, v3  }
0x13d: {  	s0 =	sadd.s32 @!p0 s14, s20;
	s5 =	simm.s32 @!p0 $0x100;
	[tilespmem:s24+$0xC150] =	vst v2  }
0x13e: {  	s25 =	simm.s32 @!p0 $0x4080;
	s1 =	sadd.s32 @!p0 s2, s0;
	[tilespmem:s24+$0xC160] =	vst v3;
	s24 =	simm.s32 @!p0 $0x400  }
0x13f: {  	[tilespmem:s25], [sflag:$0x3] =	stream.strided.gather @!p0 [hbm4b:s1+s5], $0x2000, s24, s5, $0x38;
	[tilespmem:$0x10080] =	vst v63  }
0x140: {  	s0 =	sadd.s32 @!p0 s4, s0;
	s1 =	simm.s32 @!p0 $0xC080  }
0x141: {  	[tilespmem:s1], [sflag:$0x7] =	stream.strided.gather @!p0 [hbm4b:s0+s5], $0x2000, s24, s5, $0x38;
	[tilespmem:$0x10080] =	vst v63  }
0x142: {  	s30 =	simm.s32 $0xC080;
	s25 =	sadd.s32 s15, s21  }
0x143: {  	[hbm4b:s25+s26] =	stream.strided.scatter [tilespmem:s30], [sflag:$0xB], $0x2000, s28, s26, $0x38;
	[tilespmem:$0x10080] =	vst v63  }
0x144: {  	_ =	swait.ge [sflag:s11], $0x2000  }
0x145: {  	[sflag:s11] =	ssyncset.done $0x0  }
0x146: {  	[sflag:s11] =	ssyncadd.s32 $0xFFFFE000  }
0x147: {  	_ =	swait.ge [sflag:s12], $0x2000  }
0x148: {  	[sflag:s12] =	ssyncset.done $0x0  }
0x149: {  	s0 =	simm.s32 @!p1 $0xC;
	[sflag:s12] =	ssyncadd.s32 $0xFFFFE000  }
0x14a: {  	_ =	swait.ge @!p1 [sflag:s0], $0x2000  }
0x14b: {  	[sflag:s0] =	ssyncset.done @!p1 $0x0  }
0x14c: {  	s24 =	simm.s32 $0x0;
	[sflag:s0] =	ssyncadd.s32 @!p1 $0xFFFFE000  }
0x14d: {  	v2 =	vld [tilespmem:s24+$0x60F0]  }
0x14e: {  	v3 =	vld [tilespmem:s24+$0x6080]  }
0x14f: {  	v4 =	vld [tilespmem:s24+$0xE0F0]  }
0x150: {  	v5 =	vld [tilespmem:s24+$0x6090]  }
0x151: {  	v6 =	vld [tilespmem:s24+$0x60A0]  }
0x152: {  	v9 =	vld [tilespmem:s24+$0x60B0]  }
0x153: {  	v10 =	vld [tilespmem:s24+$0x60C0]  }
0x154: {  	v12 =	vld [tilespmem:s24+$0x60D0]  }
0x155: {  	v13 =	vld [tilespmem:s24+$0x60E0]  }
0x156: {  	v14 =	vld [tilespmem:s24+$0xE080]  }
0x157: {  	v11 =	vld [tilespmem:s24+$0xE090];
	v2 =	vperm.xlane v1, v2;
	v15 =	vperm.xlane v1, v3  }
0x158: {  	v8 =	vld [tilespmem:s24+$0xE0A0];
	v7 =	vperm.xlane v1, v5;
	v6 =	vperm.xlane v1, v6  }
0x159: {  	v5 =	vperm.xlane v1, v9;
	v9 =	vld [tilespmem:s24+$0xE0B0];
	v3 =	vmul.f32 v4, v2  }
0x15a: {  	v4 =	vperm.xlane v1, v10;
	v2 =	vperm.xlane v1, v12;
	v10 =	vld [tilespmem:s24+$0xE0C0]  }
0x15b: {  	s5 =	simm.s32 $0x0;
	s25 =	simm.s32 $0x0;
	s0 =	simm.s32 $0x400;
	v12 =	vld [tilespmem:s24+$0xE0D0];
	[tilespmem:s24+$0xE0F0] =	vst v3;
	v3 =	vperm.xlane v1, v13;
	v13 =	vmul.f32 v14, v15  }
.LBB2_15:
0x15c: {  	s1 =	sshra.s32 s0, $0x2;
	s25 =	sadd.s32 $0x8, s25;
	v7 =	vmul.f32 v11, v7;
	v11 =	vld [tilespmem:s5+$0xE0E0]  }
0x15d: {  	v14 =	vld [tilespmem:s1+$0x60F0];
	p1 =	slt.u32 s25, $0xF8;
	[tilespmem:s5+$0xE080] =	vst v13;
	v6 =	vmul.f32 v8, v6  }
0x15e: {  	v8 =	vld [tilespmem:s1+$0x6080];
	[tilespmem:s5+$0xE090] =	vst v7;
	v5 =	vmul.f32 v9, v5  }
0x15f: {  	v7 =	vld [tilespmem:s1+$0xE0F0];
	[tilespmem:s5+$0xE0A0] =	vst v6;
	v4 =	vmul.f32 v10, v4  }
0x160: {  	v6 =	vld [tilespmem:s1+$0x6090];
	[tilespmem:s5+$0xE0B0] =	vst v5;
	v2 =	vmul.f32 v12, v2  }
0x161: {  	v5 =	vld [tilespmem:s1+$0x60A0];
	[tilespmem:s5+$0xE0C0] =	vst v4;
	v3 =	vmul.f32 v11, v3  }
0x162: {  	v4 =	vld [tilespmem:s1+$0x60B0];
	v9 =	vperm.xlane v1, v14;
	[tilespmem:s5+$0xE0D0] =	vst v2  }
0x163: {  	v12 =	vperm.xlane v1, v8;
	v2 =	vld [tilespmem:s1+$0x60C0];
	[tilespmem:s5+$0xE0E0] =	vst v3;
	s5 =	smov.u32 s1  }
0x164: {  	v3 =	vld [tilespmem:s5+$0x60D0];
	v8 =	vmul.f32 v7, v9  }
0x165: {  	v7 =	vperm.xlane v1, v6;
	v13 =	vld [tilespmem:s5+$0x60E0]  }
0x166: {  	v14 =	vld [tilespmem:s5+$0xE080];
	v6 =	vperm.xlane v1, v5;
	[tilespmem:s5+$0xE0F0] =	vst v8  }
.Ltmp6:
0x167: {  	v11 =	vld [tilespmem:s5+$0xE090];
	v5 =	vperm.xlane v1, v4;
	(pc) =	sbr.rel @p1 .LBB2_15-.Ltmp6, $4  }
0x168: {  	v8 =	vld [tilespmem:s5+$0xE0A0];
	v4 =	vperm.xlane v1, v2  }
0x169: {  	v9 =	vld [tilespmem:s5+$0xE0B0];
	v2 =	vperm.xlane v1, v3  }
0x16a: {  	v10 =	vld [tilespmem:s5+$0xE0C0];
	v3 =	vperm.xlane v1, v13  }
0x16b: {  	s0 =	sadd.s32 $0x400, s0;
	v13 =	vmul.f32 v14, v12;
	v12 =	vld [tilespmem:s5+$0xE0D0]  }
0x16c: {  	v7 =	vmul.f32 v11, v7;
	v11 =	vld [tilespmem:s5+$0xE0E0]  }
0x16d: {  	[tilespmem:s5+$0xE080] =	vst v13;
	v6 =	vmul.f32 v8, v6  }
0x16e: {  	[tilespmem:s5+$0xE090] =	vst v7;
	v5 =	vmul.f32 v9, v5  }
0x16f: {  	[tilespmem:s5+$0xE0A0] =	vst v6;
	v4 =	vmul.f32 v10, v4  }
0x170: {  	[tilespmem:s5+$0xE0B0] =	vst v5;
	v2 =	vmul.f32 v12, v2  }
0x171: {  	[tilespmem:s5+$0xE0C0] =	vst v4;
	v3 =	vmul.f32 v11, v3  }
0x172: {  	[tilespmem:s5+$0xE0D0] =	vst v2  }
0x173: {  	[tilespmem:s5+$0xE0E0] =	vst v3  }
0x174: {  	v2 =	vld [tilespmem:s24+$0x6170]  }
0x175: {  	v3 =	vld [tilespmem:s24+$0x6100]  }
0x176: {  	v4 =	vld [tilespmem:s24+$0xE170]  }
0x177: {  	v5 =	vld [tilespmem:s24+$0x6110]  }
0x178: {  	v6 =	vld [tilespmem:s24+$0x6120]  }
0x179: {  	v9 =	vld [tilespmem:s24+$0x6130]  }
0x17a: {  	v10 =	vld [tilespmem:s24+$0x6140]  }
0x17b: {  	v12 =	vld [tilespmem:s24+$0x6150]  }
0x17c: {  	v13 =	vld [tilespmem:s24+$0x6160]  }
0x17d: {  	v14 =	vld [tilespmem:s24+$0xE100]  }
0x17e: {  	v11 =	vld [tilespmem:s24+$0xE110];
	v2 =	vperm.xlane v1, v2;
	v15 =	vperm.xlane v1, v3  }
0x17f: {  	v8 =	vld [tilespmem:s24+$0xE120];
	v7 =	vperm.xlane v1, v5;
	v6 =	vperm.xlane v1, v6  }
0x180: {  	v5 =	vperm.xlane v1, v9;
	v9 =	vld [tilespmem:s24+$0xE130];
	v3 =	vmul.f32 v4, v2  }
0x181: {  	v4 =	vperm.xlane v1, v10;
	v2 =	vperm.xlane v1, v12;
	v10 =	vld [tilespmem:s24+$0xE140]  }
0x182: {  	s0 =	simm.s32 $0x400;
	s5 =	simm.s32 $0x0;
	v12 =	vld [tilespmem:s24+$0xE150];
	[tilespmem:s24+$0xE170] =	vst v3;
	v3 =	vperm.xlane v1, v13;
	v13 =	vmul.f32 v14, v15  }
.LBB2_17:
0x183: {  	s1 =	sshra.s32 s0, $0x2;
	s5 =	sadd.s32 $0x8, s5;
	v7 =	vmul.f32 v11, v7;
	v11 =	vld [tilespmem:s24+$0xE160]  }
0x184: {  	v14 =	vld [tilespmem:s1+$0x6170];
	p1 =	slt.u32 s5, $0xF8;
	[tilespmem:s24+$0xE100] =	vst v13;
	v6 =	vmul.f32 v8, v6  }
0x185: {  	v8 =	vld [tilespmem:s1+$0x6100];
	[tilespmem:s24+$0xE110] =	vst v7;
	v5 =	vmul.f32 v9, v5  }
0x186: {  	v7 =	vld [tilespmem:s1+$0xE170];
	[tilespmem:s24+$0xE120] =	vst v6;
	v4 =	vmul.f32 v10, v4  }
0x187: {  	v6 =	vld [tilespmem:s1+$0x6110];
	[tilespmem:s24+$0xE130] =	vst v5;
	v2 =	vmul.f32 v12, v2  }
0x188: {  	v5 =	vld [tilespmem:s1+$0x6120];
	[tilespmem:s24+$0xE140] =	vst v4;
	v3 =	vmul.f32 v11, v3  }
0x189: {  	v4 =	vld [tilespmem:s1+$0x6130];
	v9 =	vperm.xlane v1, v14;
	[tilespmem:s24+$0xE150] =	vst v2  }
0x18a: {  	v12 =	vperm.xlane v1, v8;
	v2 =	vld [tilespmem:s1+$0x6140];
	[tilespmem:s24+$0xE160] =	vst v3;
	s24 =	smov.u32 s1  }
0x18b: {  	v3 =	vld [tilespmem:s24+$0x6150];
	v8 =	vmul.f32 v7, v9  }
0x18c: {  	v7 =	vperm.xlane v1, v6;
	v13 =	vld [tilespmem:s24+$0x6160]  }
0x18d: {  	v14 =	vld [tilespmem:s24+$0xE100];
	v6 =	vperm.xlane v1, v5;
	[tilespmem:s24+$0xE170] =	vst v8  }
.Ltmp7:
0x18e: {  	v11 =	vld [tilespmem:s24+$0xE110];
	v5 =	vperm.xlane v1, v4;
	(pc) =	sbr.rel @p1 .LBB2_17-.Ltmp7, $4  }
0x18f: {  	v8 =	vld [tilespmem:s24+$0xE120];
	v4 =	vperm.xlane v1, v2  }
0x190: {  	v9 =	vld [tilespmem:s24+$0xE130];
	v2 =	vperm.xlane v1, v3  }
0x191: {  	v10 =	vld [tilespmem:s24+$0xE140];
	v3 =	vperm.xlane v1, v13  }
0x192: {  	s0 =	sadd.s32 $0x400, s0;
	v13 =	vmul.f32 v14, v12;
	v12 =	vld [tilespmem:s24+$0xE150]  }
0x193: {  	v7 =	vmul.f32 v11, v7;
	v63 =	vld [tilespmem:s24+$0xE160]  }
0x194: {  	[tilespmem:s24+$0xE100] =	vst v13;
	v6 =	vmul.f32 v8, v6  }
0x195: {  	[tilespmem:s24+$0xE110] =	vst v7;
	v5 =	vmul.f32 v9, v5  }
0x196: {  	[tilespmem:s24+$0xE120] =	vst v6;
	v4 =	vmul.f32 v10, v4  }
0x197: {  	[tilespmem:s24+$0xE130] =	vst v5;
	v2 =	vmul.f32 v12, v2  }
0x198: {  	[tilespmem:s24+$0xE140] =	vst v4;
	v3 =	vmul.f32 v63, v3  }
0x199: {  	s0 =	sadd.s32 @!p0 s14, s22;
	s5 =	simm.s32 @!p0 $0x100;
	[tilespmem:s24+$0xE150] =	vst v2  }
0x19a: {  	s14 =	simm.s32 @!p0 $0x400;
	s1 =	sadd.s32 @!p0 s2, s0;
	[tilespmem:s24+$0xE160] =	vst v3;
	s24 =	simm.s32 @!p0 $0x6080  }
0x19b: {  	[tilespmem:s24], [sflag:$0x4] =	stream.strided.gather @!p0 [hbm4b:s1+s5], $0x2000, s14, s5, $0x38;
	[tilespmem:$0x10080] =	vst v63  }
0x19c: {  	s13 =	sadd.s32 $0x1, s13;
	s0 =	sadd.s32 @!p0 s4, s0;
	s1 =	simm.s32 @!p0 $0xE080  }
0x19d: {  	[tilespmem:s1], [sflag:$0x8] =	stream.strided.gather @!p0 [hbm4b:s0+s5], $0x2000, s14, s5, $0x38;
	[tilespmem:$0x10080] =	vst v63  }
0x19e: {  	p0 =	sne.s32 s13, $0x10  }
.Ltmp8:
0x19f: {  	_ = 	snop;
	(pc) =	sbr.rel @p0 .LBB2_2-.Ltmp8, $3  }
0x1a0: {  	_ =	sdelay $0x1  }
0x1a1: {  	s30 =	sadd.s32 s15, s23  }
0x1a2: {  	[hbm4b:s30+s26] =	stream.strided.scatter [tilespmem:s29], [sflag:$0xC], $0x2000, s28, s26, $0x38;
	[tilespmem:$0x10080] =	vst v63  }
0x1a3: {  	s0 =	simm.s32 $0x9  }
0x1a4: {  	_ =	swait.ge [sflag:s0], $0x2000  }
0x1a5: {  	[sflag:s0] =	ssyncset.done $0x0  }
0x1a6: {  	s24 =	simm.s32 $0xA;
	[sflag:s0] =	ssyncadd.s32 $0xFFFFE000  }
0x1a7: {  	_ =	swait.ge [sflag:s24], $0x2000  }
0x1a8: {  	[sflag:s24] =	ssyncset.done $0x0  }
0x1a9: {  	s25 =	simm.s32 $0xB;
	[sflag:s24] =	ssyncadd.s32 $0xFFFFE000  }
0x1aa: {  	_ =	swait.ge [sflag:s25], $0x2000  }
0x1ab: {  	[sflag:s25] =	ssyncset.done $0x0  }
0x1ac: {  	s1 =	simm.s32 $0xC;
	[sflag:s25] =	ssyncadd.s32 $0xFFFFE000  }
0x1ad: {  	_ =	swait.ge [sflag:s1], $0x2000  }
0x1ae: {  	s5 =	rddreg [dreg:$0xe]  }
0x1af: {  	s30 =	rddreg [dreg:$0xd];
	s5 =	sadd.s32 $0x1, s5  }
0x1b0: {  	p0 =	sne.s32 s5, s30  }
.Ltmp9:
0x1b1: {  	_ = 	snop;
	(pc) =	sbr.rel @p0 .LBB2_1-.Ltmp9, $3  }
0x1b2: {  	_ =	sdelay $0x1  }
0x1b3: {  	[sflag:s1] =	ssyncset.done $0x0  }
0x1b4: {  	[sflag:s1] =	ssyncadd.s32 $0xFFFFE000  }
0x1b5: {  	_ =	sfence.sel $0x180000  }
0x1b6: {  	[bflag:$0x0] =	sbarrier.arrive $0xFFFF  }
0x1b7: {  	_ =	strace $0x90000047  }
0x1b8: {  	s0 =	stileid.u32;
	[bflag:$0x2] =	sbarrier.arrive $0xFFFF  }
0x1b9: {  	p0 =	sne.s32 s0, $0x0;
	s0 =	rddreg [dreg:$0x4]  }
0x1ba: {  	s0 =	sadd.s32 @!p0 $0x100000, s0  }
0x1bb: {  	[sflag:s0] =	ssyncadd.tile.s32 @!p0 $0x1;
	_ =	shalt  }
.Lfunc_end2:
_tile_overlayer_lowered:
.L_overlay_start_2:
0x1bc: {  	(tag) =	ssettag $0x2  }
0x1bd: {  	s0 =	rddreg [dreg:$0x0];
	s2 =	stileid.u32  }
0x1be: {  	s1 =	rddreg [dreg:$0x1];
	p0 =	sne.s32 s2, $0x0  }
0x1bf: {  	s3 =	rddreg [dreg:$0x2];
	[bflag:$0x3] =	sbarrier.arrive $0xFFFF;
	s2 =	simm.s32 @!p0 $0x1C0D  }
0x1c0: {  	[timem:s3], [sflag:s2] =	dma.local @!p0 [hbm:s0], s1  }
0x1c1: {  	s0 =	simm.s32 @!p0 $0xD  }
0x1c2: {  	_ =	swait.ge @!p0 [sflag:s0], s1  }
0x1c3: {  	s1 =	ssub.s32 @!p0 $0x0, s1;
	[sflag:s0] =	ssyncset.done @!p0 $0x0  }
0x1c4: {  	[sflag:s0] =	ssyncadd.s32 @!p0 s1  }
0x1c5: {  	[bflag:$0x3] =	sbarrier.arrive $0xFFFF  }
0x1c6: {  	_ =	shalt  }

</sc_bundles>
